<compile_context>
chip_gen: v7x
topology: tpu7x:2x2x1
jax: 0.10.2.dev20260603
libtpu: 0.0.44.dev20260713+nightly
codegen_flags: <defaults>
</compile_context>

<pallas_src>
import jax
import jax.numpy as jnp
from jax import lax
from jax.experimental import pallas as pl
from jax.experimental.pallas import tpu as pltpu
from jax.experimental.pallas import tpu_sc as plsc

_TOKENS = 8192
_DIM = 2048
_NE = 16
_EPS = 1e-06
_CAP = float(_TOKENS)
_MM_TILE = 1024
_MM_GRID = _TOKENS // _MM_TILE
_NW = 16
_TPW = _TOKENS // _NW


def _mm_body(x_ref, w_ref, b_ref, out_ref):
    out_ref[...] = lax.dot_general(
        x_ref[...], w_ref[...], (((1,), (1,)), ((), ())),
        preferred_element_type=jnp.float32,
    ) + b_ref[...]


def _route_body(logits_hbm, out_hbm, lv, mv, av, sv):
    wid = lax.axis_index("s")
    base = wid * _TPW
    pltpu.sync_copy(logits_hbm.at[pl.ds(base, _TPW)], lv)

    idx = lax.iota(jnp.int32, 16)

    def one(t):
        v = lv[t, :]
        m = jnp.max(v)
        e = jnp.exp(v - m)
        s = jnp.sum(e)
        p = e / s
        pm = jnp.full((16,), 1.0, jnp.float32) / s
        first = plsc.all_reduce_ffs(p == pm)
        masked = jnp.where(idx == first, p, 0.0)
        mv[t, :] = masked
        return masked

    def body(i, acc):
        t = i * 8
        a = [one(t + u) for u in range(8)]
        s01 = (a[0] + a[1]) + (a[2] + a[3])
        s23 = (a[4] + a[5]) + (a[6] + a[7])
        return acc + (s01 + s23)

    acc = lax.fori_loop(0, _TPW // 8, body, jnp.zeros((16,), jnp.float32))
    av[:] = acc
    pltpu.sync_copy(av, out_hbm.at[wid])
    plsc.subcore_barrier()
    pltpu.sync_copy(out_hbm.at[pl.ds(0, _NW)], sv)
    plsc.subcore_barrier()
    tot = sv[0, :]
    for j in range(1, _NW):
        tot = tot + sv[j, :]
    scale = _CAP / (tot + _EPS)

    def body2(i, carry):
        t = i * 8
        for u in range(8):
            mv[t + u, :] = mv[t + u, :] * scale
        return carry

    lax.fori_loop(0, _TPW // 8, body2, 0)
    pltpu.sync_copy(mv, out_hbm.at[pl.ds(base, _TPW)])


def kernel(x, W, b):
    b2 = b.reshape(1, _NE)
    logits = pl.pallas_call(
        _mm_body,
        grid=(_MM_GRID,),
        in_specs=[
            pl.BlockSpec((_MM_TILE, _DIM), lambda i: (i, 0)),
            pl.BlockSpec((_NE, _DIM), lambda i: (0, 0)),
            pl.BlockSpec((1, _NE), lambda i: (0, 0)),
        ],
        out_specs=pl.BlockSpec((_MM_TILE, _NE), lambda i: (i, 0)),
        out_shape=jax.ShapeDtypeStruct((_TOKENS, _NE), jnp.float32),
    )(x, W, b2)

    route = pl.kernel(
        _route_body,
        mesh=plsc.VectorSubcoreMesh(
            core_axis_name="c", subcore_axis_name="s", num_cores=1
        ),
        compiler_params=pltpu.CompilerParams(needs_layout_passes=False, use_tc_tiling_on_sc=False, disable_bounds_checks=True, skip_device_barrier=True),
        out_type=jax.ShapeDtypeStruct((_TOKENS, _NE), jnp.float32),
        scratch_types=[
            pltpu.VMEM((_TPW, _NE), jnp.float32),
            pltpu.VMEM((_TPW, _NE), jnp.float32),
            pltpu.VMEM((_NE,), jnp.float32),
            pltpu.VMEM((_NW, _NE), jnp.float32),
        ],
    )
    return route(logits)

# --- scband reference (transcript-rebuilt; emitter-appended) ---
"""Pipeline reference for scband-switch-gate-1726576855131 (READ-ONLY COPY).

The authoritative reference and input builder live on the scoring server;
editing this copy changes nothing except your own understanding.
"""

import jax, jax.numpy as jnp
import numpy as np

TOKENS = 8192
DIM = 2048
NUM_EXPERTS = 16
CAPACITY_FACTOR = 1.0
EPS = 1e-06


def setup_inputs(seed: int = 0) -> dict:
    key = jax.random.key(seed)
    k1, k2, k3 = jax.random.split(key, 3)
    x = jax.random.normal(k1, (TOKENS, DIM), dtype=jnp.float32)
    # nn.Linear(dim, num_experts): weight [num_experts, dim], bias [num_experts]
    bound = 1.0 / np.sqrt(DIM)
    W = jax.random.uniform(k2, (NUM_EXPERTS, DIM), dtype=jnp.float32, minval=-bound, maxval=bound)
    b = jax.random.uniform(k3, (NUM_EXPERTS,), dtype=jnp.float32, minval=-bound, maxval=bound)
    return {"x": x, "W": W, "b": b}


def reference(x, W, b):
    # gate_scores = softmax(w_gate(x), dim=-1)
    logits = x @ W.T + b
    gate_scores = jax.nn.softmax(logits, axis=-1)
    capacity = int(CAPACITY_FACTOR * x.shape[0])
    # top-1 routing
    top_k_scores, top_k_indices = jax.lax.top_k(gate_scores, 1)
    rows = jnp.arange(x.shape[0])
    # mask = zeros_like(gate_scores).scatter_(1, top_k_indices, 1)
    mask = jnp.zeros_like(gate_scores).at[rows, top_k_indices[:, 0]].set(1.0)
    mask = jax.lax.stop_gradient(mask)
    masked_gate_scores = gate_scores * mask
    denominators = masked_gate_scores.sum(0, keepdims=True) + EPS
    out = masked_gate_scores / denominators * capacity
    return out

if __name__ == "__main__":
    import jax
    _d = setup_inputs()
    print(jax.jit(kernel)(*tuple(_d.values())))

</pallas_src>

<mosaic_0001>
#map = affine_map<(d0, d1) -> (0, 0)>
module attributes {stable_mosaic.version = 14 : i64} {
  func.func @_route_body(%arg0: i32, %arg1: i32, %arg2: memref<8192x16xf32, #tpu.memory_space<hbm>>, %arg3: memref<8192x16xf32, #tpu.memory_space<hbm>>, %arg4: memref<512x16xf32, #tpu.memory_space<vmem>>, %arg5: memref<512x16xf32, #tpu.memory_space<vmem>>, %arg6: memref<16xf32, #tpu.memory_space<vmem>>, %arg7: memref<16x16xf32, #tpu.memory_space<vmem>>) attributes {dimension_semantics = [#tpu.dimension_semantics<core_parallel>, #tpu.dimension_semantics<subcore_parallel>], iteration_bounds = array<i64: 1, 16>, scalar_prefetch = 0 : i64, scratch_operands = 4 : i64, tpu.core_type = #tpu.core_type<sc_vector_subcore>, window_params = [{transform_indices = #map}, {transform_indices = #map}]} {
    %mul3A = arith.constant 512 : i32
    %mul3A_0 = arith.muli %arg1, %mul3A : i32
    "tpu.region"() ({
      %run_scoped3A = tpu.sem_alloc : memref<!tpu.dma_semaphore, #tpu.memory_space<semaphore_mem>>
      %dma_start3A = arith.constant 0 : i32
      %dma_start3A_97 = tpu.memref_slice %arg2[%mul3A_0, %dma_start3A] : memref<8192x16xf32, #tpu.memory_space<hbm>> -> memref<512x16xf32, #tpu.memory_space<hbm>>
      %dma_start3A_98 = arith.constant 0 : i32
      %dma_start3A_99 = tpu.memref_slice %arg2[%mul3A_0, %dma_start3A_98] : memref<8192x16xf32, #tpu.memory_space<hbm>> -> memref<512x16xf32, #tpu.memory_space<hbm>>
      tpu.enqueue_dma source(%dma_start3A_99 : memref<512x16xf32, #tpu.memory_space<hbm>>) target(%arg4 : memref<512x16xf32, #tpu.memory_space<vmem>>) target_semaphore(%run_scoped3A : memref<!tpu.dma_semaphore, #tpu.memory_space<semaphore_mem>>)
      %dma_wait3A = arith.constant 0 : i32
      %dma_wait3A_100 = tpu.memref_slice %arg2[%mul3A_0, %dma_wait3A] : memref<8192x16xf32, #tpu.memory_space<hbm>> -> memref<512x16xf32, #tpu.memory_space<hbm>>
      %dma_wait3A_101 = arith.constant 0 : i32
      %dma_wait3A_102 = tpu.memref_slice %arg2[%mul3A_0, %dma_wait3A_101] : memref<8192x16xf32, #tpu.memory_space<hbm>> -> memref<512x16xf32, #tpu.memory_space<hbm>>
      tpu.wait_dma2 semaphore(%run_scoped3A : memref<!tpu.dma_semaphore, #tpu.memory_space<semaphore_mem>>) src(%dma_wait3A_102 : memref<512x16xf32, #tpu.memory_space<hbm>>) dst(%arg4 : memref<512x16xf32, #tpu.memory_space<vmem>>)
      tpu.yield
    }) : () -> ()
    %iota3A = tpu.iota {dimensions = array<i32: 0>} : vector<16xi32>
    %broadcast_in_dim3A = arith.constant 0.000000e+00 : f32
    %broadcast_in_dim3A_1 = vector.broadcast %broadcast_in_dim3A : f32 to vector<16xf32>
    %scan3A = arith.constant 0 : i32
    %scan3A_2 = arith.constant 64 : i32
    %scan3A_3 = arith.addi %scan3A, %scan3A_2 : i32
    %scan3A_4 = arith.constant 1 : i32
    %scan3A_5 = scf.for %scan3A_97 = %scan3A to %scan3A_3 step %scan3A_4 iter_args(%scan3A_98 = %broadcast_in_dim3A_1) -> (vector<16xf32>)  : i32 {
      %mul3A_99 = arith.constant 8 : i32
      %mul3A_100 = arith.muli %scan3A_97, %mul3A_99 : i32
      %add3A_101 = arith.constant 0 : i32
      %add3A_102 = arith.addi %mul3A_100, %add3A_101 : i32
      %get3A_103 = arith.index_cast %add3A_102 : i32 to index
      %get3A_104 = arith.constant 0 : index
      %get3A_105 = tpu.vector_load %arg4[%get3A_103, %get3A_104] {strides = array<i32>} : memref<512x16xf32, #tpu.memory_space<vmem>>, vector<16xf32>,
      %reduce_max3A = arith.constant true
      %reduce_max3A_106 = vector.broadcast %reduce_max3A : i1 to vector<16xi1>
      %reduce_max3A_107 = tpu.scan <max>, %get3A_105 masked %reduce_max3A_106 : vector<16xf32>, vector<16xi1> -> vector<16xf32>
      %reduce_max3A_108 = vector.extract %reduce_max3A_107[15] : f32 from vector<16xf32>
      %sub3A = vector.broadcast %reduce_max3A_108 : f32 to vector<16xf32>
      %sub3A_109 = arith.subf %get3A_105, %sub3A : vector<16xf32>
      %exp3A = math.exp %sub3A_109 : vector<16xf32>
      %reduce_sum3A = arith.constant true
      %reduce_sum3A_110 = vector.broadcast %reduce_sum3A : i1 to vector<16xi1>
      %reduce_sum3A_111 = tpu.scan <sum>, %exp3A masked %reduce_sum3A_110 : vector<16xf32>, vector<16xi1> -> vector<16xf32>
      %reduce_sum3A_112 = vector.extract %reduce_sum3A_111[15] : f32 from vector<16xf32>
      %div3A_113 = vector.broadcast %reduce_sum3A_112 : f32 to vector<16xf32>
      %div3A_114 = arith.divf %exp3A, %div3A_113 : vector<16xf32>
      %broadcast_in_dim3A_115 = arith.constant 1.000000e+00 : f32
      %broadcast_in_dim3A_116 = vector.broadcast %broadcast_in_dim3A_115 : f32 to vector<16xf32>
      %div3A_117 = vector.broadcast %reduce_sum3A_112 : f32 to vector<16xf32>
      %div3A_118 = arith.divf %broadcast_in_dim3A_116, %div3A_117 : vector<16xf32>
      %eq3A = arith.cmpf oeq, %div3A_114, %div3A_118 : vector<16xf32>
      %all_reduce_ffs3A = tpu.all_reduce %eq3A {dim = 0 : i64, kind = #tpu.reduction_kind<find_first_set>} : vector<16xi1> -> vector<16xi32>
      %eq3A_119 = arith.cmpi eq, %iota3A, %all_reduce_ffs3A : vector<16xi32>
      %jit3A = arith.constant 0.000000e+00 : f32
      %broadcast_in_dim3A_120 = vector.broadcast %jit3A : f32 to vector<16xf32>
      %select_n3A = arith.select %eq3A_119, %div3A_114, %broadcast_in_dim3A_120 : vector<16xi1>, vector<16xf32>
      %swap3A_121 = arith.index_cast %add3A_102 : i32 to index
      %swap3A_122 = arith.constant 0 : index
      %swap3A_123 = tpu.vector_load %arg5[%swap3A_121, %swap3A_122] {strides = array<i32>} : memref<512x16xf32, #tpu.memory_space<vmem>>, vector<16xf32>,
      tpu.vector_store %arg5[%swap3A_121, %swap3A_122], %select_n3A {strides = array<i32>} : memref<512x16xf32, #tpu.memory_space<vmem>>, vector<16xf32>,
      %add3A_124 = arith.constant 1 : i32
      %add3A_125 = arith.addi %mul3A_100, %add3A_124 : i32
      %get3A_126 = arith.index_cast %add3A_125 : i32 to index
      %get3A_127 = arith.constant 0 : index
      %get3A_128 = tpu.vector_load %arg4[%get3A_126, %get3A_127] {strides = array<i32>} : memref<512x16xf32, #tpu.memory_space<vmem>>, vector<16xf32>,
      %reduce_max3A_129 = arith.constant true
      %reduce_max3A_130 = vector.broadcast %reduce_max3A_129 : i1 to vector<16xi1>
      %reduce_max3A_131 = tpu.scan <max>, %get3A_128 masked %reduce_max3A_130 : vector<16xf32>, vector<16xi1> -> vector<16xf32>
      %reduce_max3A_132 = vector.extract %reduce_max3A_131[15] : f32 from vector<16xf32>
      %sub3A_133 = vector.broadcast %reduce_max3A_132 : f32 to vector<16xf32>
      %sub3A_134 = arith.subf %get3A_128, %sub3A_133 : vector<16xf32>
      %exp3A_135 = math.exp %sub3A_134 : vector<16xf32>
      %reduce_sum3A_136 = arith.constant true
      %reduce_sum3A_137 = vector.broadcast %reduce_sum3A_136 : i1 to vector<16xi1>
      %reduce_sum3A_138 = tpu.scan <sum>, %exp3A_135 masked %reduce_sum3A_137 : vector<16xf32>, vector<16xi1> -> vector<16xf32>
      %reduce_sum3A_139 = vector.extract %reduce_sum3A_138[15] : f32 from vector<16xf32>
      %div3A_140 = vector.broadcast %reduce_sum3A_139 : f32 to vector<16xf32>
      %div3A_141 = arith.divf %exp3A_135, %div3A_140 : vector<16xf32>
      %broadcast_in_dim3A_142 = arith.constant 1.000000e+00 : f32
      %broadcast_in_dim3A_143 = vector.broadcast %broadcast_in_dim3A_142 : f32 to vector<16xf32>
      %div3A_144 = vector.broadcast %reduce_sum3A_139 : f32 to vector<16xf32>
      %div3A_145 = arith.divf %broadcast_in_dim3A_143, %div3A_144 : vector<16xf32>
      %eq3A_146 = arith.cmpf oeq, %div3A_141, %div3A_145 : vector<16xf32>
      %all_reduce_ffs3A_147 = tpu.all_reduce %eq3A_146 {dim = 0 : i64, kind = #tpu.reduction_kind<find_first_set>} : vector<16xi1> -> vector<16xi32>
      %eq3A_148 = arith.cmpi eq, %iota3A, %all_reduce_ffs3A_147 : vector<16xi32>
      %jit3A_149 = arith.constant 0.000000e+00 : f32
      %broadcast_in_dim3A_150 = vector.broadcast %jit3A_149 : f32 to vector<16xf32>
      %select_n3A_151 = arith.select %eq3A_148, %div3A_141, %broadcast_in_dim3A_150 : vector<16xi1>, vector<16xf32>
      %swap3A_152 = arith.index_cast %add3A_125 : i32 to index
      %swap3A_153 = arith.constant 0 : index
      %swap3A_154 = tpu.vector_load %arg5[%swap3A_152, %swap3A_153] {strides = array<i32>} : memref<512x16xf32, #tpu.memory_space<vmem>>, vector<16xf32>,
      tpu.vector_store %arg5[%swap3A_152, %swap3A_153], %select_n3A_151 {strides = array<i32>} : memref<512x16xf32, #tpu.memory_space<vmem>>, vector<16xf32>,
      %add3A_155 = arith.constant 2 : i32
      %add3A_156 = arith.addi %mul3A_100, %add3A_155 : i32
      %get3A_157 = arith.index_cast %add3A_156 : i32 to index
      %get3A_158 = arith.constant 0 : index
      %get3A_159 = tpu.vector_load %arg4[%get3A_157, %get3A_158] {strides = array<i32>} : memref<512x16xf32, #tpu.memory_space<vmem>>, vector<16xf32>,
      %reduce_max3A_160 = arith.constant true
      %reduce_max3A_161 = vector.broadcast %reduce_max3A_160 : i1 to vector<16xi1>
      %reduce_max3A_162 = tpu.scan <max>, %get3A_159 masked %reduce_max3A_161 : vector<16xf32>, vector<16xi1> -> vector<16xf32>
      %reduce_max3A_163 = vector.extract %reduce_max3A_162[15] : f32 from vector<16xf32>
      %sub3A_164 = vector.broadcast %reduce_max3A_163 : f32 to vector<16xf32>
      %sub3A_165 = arith.subf %get3A_159, %sub3A_164 : vector<16xf32>
      %exp3A_166 = math.exp %sub3A_165 : vector<16xf32>
      %reduce_sum3A_167 = arith.constant true
      %reduce_sum3A_168 = vector.broadcast %reduce_sum3A_167 : i1 to vector<16xi1>
      %reduce_sum3A_169 = tpu.scan <sum>, %exp3A_166 masked %reduce_sum3A_168 : vector<16xf32>, vector<16xi1> -> vector<16xf32>
      %reduce_sum3A_170 = vector.extract %reduce_sum3A_169[15] : f32 from vector<16xf32>
      %div3A_171 = vector.broadcast %reduce_sum3A_170 : f32 to vector<16xf32>
      %div3A_172 = arith.divf %exp3A_166, %div3A_171 : vector<16xf32>
      %broadcast_in_dim3A_173 = arith.constant 1.000000e+00 : f32
      %broadcast_in_dim3A_174 = vector.broadcast %broadcast_in_dim3A_173 : f32 to vector<16xf32>
      %div3A_175 = vector.broadcast %reduce_sum3A_170 : f32 to vector<16xf32>
      %div3A_176 = arith.divf %broadcast_in_dim3A_174, %div3A_175 : vector<16xf32>
      %eq3A_177 = arith.cmpf oeq, %div3A_172, %div3A_176 : vector<16xf32>
      %all_reduce_ffs3A_178 = tpu.all_reduce %eq3A_177 {dim = 0 : i64, kind = #tpu.reduction_kind<find_first_set>} : vector<16xi1> -> vector<16xi32>
      %eq3A_179 = arith.cmpi eq, %iota3A, %all_reduce_ffs3A_178 : vector<16xi32>
      %jit3A_180 = arith.constant 0.000000e+00 : f32
      %broadcast_in_dim3A_181 = vector.broadcast %jit3A_180 : f32 to vector<16xf32>
      %select_n3A_182 = arith.select %eq3A_179, %div3A_172, %broadcast_in_dim3A_181 : vector<16xi1>, vector<16xf32>
      %swap3A_183 = arith.index_cast %add3A_156 : i32 to index
      %swap3A_184 = arith.constant 0 : index
      %swap3A_185 = tpu.vector_load %arg5[%swap3A_183, %swap3A_184] {strides = array<i32>} : memref<512x16xf32, #tpu.memory_space<vmem>>, vector<16xf32>,
      tpu.vector_store %arg5[%swap3A_183, %swap3A_184], %select_n3A_182 {strides = array<i32>} : memref<512x16xf32, #tpu.memory_space<vmem>>, vector<16xf32>,
      %add3A_186 = arith.constant 3 : i32
      %add3A_187 = arith.addi %mul3A_100, %add3A_186 : i32
      %get3A_188 = arith.index_cast %add3A_187 : i32 to index
      %get3A_189 = arith.constant 0 : index
      %get3A_190 = tpu.vector_load %arg4[%get3A_188, %get3A_189] {strides = array<i32>} : memref<512x16xf32, #tpu.memory_space<vmem>>, vector<16xf32>,
      %reduce_max3A_191 = arith.constant true
      %reduce_max3A_192 = vector.broadcast %reduce_max3A_191 : i1 to vector<16xi1>
      %reduce_max3A_193 = tpu.scan <max>, %get3A_190 masked %reduce_max3A_192 : vector<16xf32>, vector<16xi1> -> vector<16xf32>
      %reduce_max3A_194 = vector.extract %reduce_max3A_193[15] : f32 from vector<16xf32>
      %sub3A_195 = vector.broadcast %reduce_max3A_194 : f32 to vector<16xf32>
      %sub3A_196 = arith.subf %get3A_190, %sub3A_195 : vector<16xf32>
      %exp3A_197 = math.exp %sub3A_196 : vector<16xf32>
      %reduce_sum3A_198 = arith.constant true
      %reduce_sum3A_199 = vector.broadcast %reduce_sum3A_198 : i1 to vector<16xi1>
      %reduce_sum3A_200 = tpu.scan <sum>, %exp3A_197 masked %reduce_sum3A_199 : vector<16xf32>, vector<16xi1> -> vector<16xf32>
      %reduce_sum3A_201 = vector.extract %reduce_sum3A_200[15] : f32 from vector<16xf32>
      %div3A_202 = vector.broadcast %reduce_sum3A_201 : f32 to vector<16xf32>
      %div3A_203 = arith.divf %exp3A_197, %div3A_202 : vector<16xf32>
      %broadcast_in_dim3A_204 = arith.constant 1.000000e+00 : f32
      %broadcast_in_dim3A_205 = vector.broadcast %broadcast_in_dim3A_204 : f32 to vector<16xf32>
      %div3A_206 = vector.broadcast %reduce_sum3A_201 : f32 to vector<16xf32>
      %div3A_207 = arith.divf %broadcast_in_dim3A_205, %div3A_206 : vector<16xf32>
      %eq3A_208 = arith.cmpf oeq, %div3A_203, %div3A_207 : vector<16xf32>
      %all_reduce_ffs3A_209 = tpu.all_reduce %eq3A_208 {dim = 0 : i64, kind = #tpu.reduction_kind<find_first_set>} : vector<16xi1> -> vector<16xi32>
      %eq3A_210 = arith.cmpi eq, %iota3A, %all_reduce_ffs3A_209 : vector<16xi32>
      %jit3A_211 = arith.constant 0.000000e+00 : f32
      %broadcast_in_dim3A_212 = vector.broadcast %jit3A_211 : f32 to vector<16xf32>
      %select_n3A_213 = arith.select %eq3A_210, %div3A_203, %broadcast_in_dim3A_212 : vector<16xi1>, vector<16xf32>
      %swap3A_214 = arith.index_cast %add3A_187 : i32 to index
      %swap3A_215 = arith.constant 0 : index
      %swap3A_216 = tpu.vector_load %arg5[%swap3A_214, %swap3A_215] {strides = array<i32>} : memref<512x16xf32, #tpu.memory_space<vmem>>, vector<16xf32>,
      tpu.vector_store %arg5[%swap3A_214, %swap3A_215], %select_n3A_213 {strides = array<i32>} : memref<512x16xf32, #tpu.memory_space<vmem>>, vector<16xf32>,
      %add3A_217 = arith.constant 4 : i32
      %add3A_218 = arith.addi %mul3A_100, %add3A_217 : i32
      %get3A_219 = arith.index_cast %add3A_218 : i32 to index
      %get3A_220 = arith.constant 0 : index
      %get3A_221 = tpu.vector_load %arg4[%get3A_219, %get3A_220] {strides = array<i32>} : memref<512x16xf32, #tpu.memory_space<vmem>>, vector<16xf32>,
      %reduce_max3A_222 = arith.constant true
      %reduce_max3A_223 = vector.broadcast %reduce_max3A_222 : i1 to vector<16xi1>
      %reduce_max3A_224 = tpu.scan <max>, %get3A_221 masked %reduce_max3A_223 : vector<16xf32>, vector<16xi1> -> vector<16xf32>
      %reduce_max3A_225 = vector.extract %reduce_max3A_224[15] : f32 from vector<16xf32>
      %sub3A_226 = vector.broadcast %reduce_max3A_225 : f32 to vector<16xf32>
      %sub3A_227 = arith.subf %get3A_221, %sub3A_226 : vector<16xf32>
      %exp3A_228 = math.exp %sub3A_227 : vector<16xf32>
      %reduce_sum3A_229 = arith.constant true
      %reduce_sum3A_230 = vector.broadcast %reduce_sum3A_229 : i1 to vector<16xi1>
      %reduce_sum3A_231 = tpu.scan <sum>, %exp3A_228 masked %reduce_sum3A_230 : vector<16xf32>, vector<16xi1> -> vector<16xf32>
      %reduce_sum3A_232 = vector.extract %reduce_sum3A_231[15] : f32 from vector<16xf32>
      %div3A_233 = vector.broadcast %reduce_sum3A_232 : f32 to vector<16xf32>
      %div3A_234 = arith.divf %exp3A_228, %div3A_233 : vector<16xf32>
      %broadcast_in_dim3A_235 = arith.constant 1.000000e+00 : f32
      %broadcast_in_dim3A_236 = vector.broadcast %broadcast_in_dim3A_235 : f32 to vector<16xf32>
      %div3A_237 = vector.broadcast %reduce_sum3A_232 : f32 to vector<16xf32>
      %div3A_238 = arith.divf %broadcast_in_dim3A_236, %div3A_237 : vector<16xf32>
      %eq3A_239 = arith.cmpf oeq, %div3A_234, %div3A_238 : vector<16xf32>
      %all_reduce_ffs3A_240 = tpu.all_reduce %eq3A_239 {dim = 0 : i64, kind = #tpu.reduction_kind<find_first_set>} : vector<16xi1> -> vector<16xi32>
      %eq3A_241 = arith.cmpi eq, %iota3A, %all_reduce_ffs3A_240 : vector<16xi32>
      %jit3A_242 = arith.constant 0.000000e+00 : f32
      %broadcast_in_dim3A_243 = vector.broadcast %jit3A_242 : f32 to vector<16xf32>
      %select_n3A_244 = arith.select %eq3A_241, %div3A_234, %broadcast_in_dim3A_243 : vector<16xi1>, vector<16xf32>
      %swap3A_245 = arith.index_cast %add3A_218 : i32 to index
      %swap3A_246 = arith.constant 0 : index
      %swap3A_247 = tpu.vector_load %arg5[%swap3A_245, %swap3A_246] {strides = array<i32>} : memref<512x16xf32, #tpu.memory_space<vmem>>, vector<16xf32>,
      tpu.vector_store %arg5[%swap3A_245, %swap3A_246], %select_n3A_244 {strides = array<i32>} : memref<512x16xf32, #tpu.memory_space<vmem>>, vector<16xf32>,
      %add3A_248 = arith.constant 5 : i32
      %add3A_249 = arith.addi %mul3A_100, %add3A_248 : i32
      %get3A_250 = arith.index_cast %add3A_249 : i32 to index
      %get3A_251 = arith.constant 0 : index
      %get3A_252 = tpu.vector_load %arg4[%get3A_250, %get3A_251] {strides = array<i32>} : memref<512x16xf32, #tpu.memory_space<vmem>>, vector<16xf32>,
      %reduce_max3A_253 = arith.constant true
      %reduce_max3A_254 = vector.broadcast %reduce_max3A_253 : i1 to vector<16xi1>
      %reduce_max3A_255 = tpu.scan <max>, %get3A_252 masked %reduce_max3A_254 : vector<16xf32>, vector<16xi1> -> vector<16xf32>
      %reduce_max3A_256 = vector.extract %reduce_max3A_255[15] : f32 from vector<16xf32>
      %sub3A_257 = vector.broadcast %reduce_max3A_256 : f32 to vector<16xf32>
      %sub3A_258 = arith.subf %get3A_252, %sub3A_257 : vector<16xf32>
      %exp3A_259 = math.exp %sub3A_258 : vector<16xf32>
      %reduce_sum3A_260 = arith.constant true
      %reduce_sum3A_261 = vector.broadcast %reduce_sum3A_260 : i1 to vector<16xi1>
      %reduce_sum3A_262 = tpu.scan <sum>, %exp3A_259 masked %reduce_sum3A_261 : vector<16xf32>, vector<16xi1> -> vector<16xf32>
      %reduce_sum3A_263 = vector.extract %reduce_sum3A_262[15] : f32 from vector<16xf32>
      %div3A_264 = vector.broadcast %reduce_sum3A_263 : f32 to vector<16xf32>
      %div3A_265 = arith.divf %exp3A_259, %div3A_264 : vector<16xf32>
      %broadcast_in_dim3A_266 = arith.constant 1.000000e+00 : f32
      %broadcast_in_dim3A_267 = vector.broadcast %broadcast_in_dim3A_266 : f32 to vector<16xf32>
      %div3A_268 = vector.broadcast %reduce_sum3A_263 : f32 to vector<16xf32>
      %div3A_269 = arith.divf %broadcast_in_dim3A_267, %div3A_268 : vector<16xf32>
      %eq3A_270 = arith.cmpf oeq, %div3A_265, %div3A_269 : vector<16xf32>
      %all_reduce_ffs3A_271 = tpu.all_reduce %eq3A_270 {dim = 0 : i64, kind = #tpu.reduction_kind<find_first_set>} : vector<16xi1> -> vector<16xi32>
      %eq3A_272 = arith.cmpi eq, %iota3A, %all_reduce_ffs3A_271 : vector<16xi32>
      %jit3A_273 = arith.constant 0.000000e+00 : f32
      %broadcast_in_dim3A_274 = vector.broadcast %jit3A_273 : f32 to vector<16xf32>
      %select_n3A_275 = arith.select %eq3A_272, %div3A_265, %broadcast_in_dim3A_274 : vector<16xi1>, vector<16xf32>
      %swap3A_276 = arith.index_cast %add3A_249 : i32 to index
      %swap3A_277 = arith.constant 0 : index
      %swap3A_278 = tpu.vector_load %arg5[%swap3A_276, %swap3A_277] {strides = array<i32>} : memref<512x16xf32, #tpu.memory_space<vmem>>, vector<16xf32>,
      tpu.vector_store %arg5[%swap3A_276, %swap3A_277], %select_n3A_275 {strides = array<i32>} : memref<512x16xf32, #tpu.memory_space<vmem>>, vector<16xf32>,
      %add3A_279 = arith.constant 6 : i32
      %add3A_280 = arith.addi %mul3A_100, %add3A_279 : i32
      %get3A_281 = arith.index_cast %add3A_280 : i32 to index
      %get3A_282 = arith.constant 0 : index
      %get3A_283 = tpu.vector_load %arg4[%get3A_281, %get3A_282] {strides = array<i32>} : memref<512x16xf32, #tpu.memory_space<vmem>>, vector<16xf32>,
      %reduce_max3A_284 = arith.constant true
      %reduce_max3A_285 = vector.broadcast %reduce_max3A_284 : i1 to vector<16xi1>
      %reduce_max3A_286 = tpu.scan <max>, %get3A_283 masked %reduce_max3A_285 : vector<16xf32>, vector<16xi1> -> vector<16xf32>
      %reduce_max3A_287 = vector.extract %reduce_max3A_286[15] : f32 from vector<16xf32>
      %sub3A_288 = vector.broadcast %reduce_max3A_287 : f32 to vector<16xf32>
      %sub3A_289 = arith.subf %get3A_283, %sub3A_288 : vector<16xf32>
      %exp3A_290 = math.exp %sub3A_289 : vector<16xf32>
      %reduce_sum3A_291 = arith.constant true
      %reduce_sum3A_292 = vector.broadcast %reduce_sum3A_291 : i1 to vector<16xi1>
      %reduce_sum3A_293 = tpu.scan <sum>, %exp3A_290 masked %reduce_sum3A_292 : vector<16xf32>, vector<16xi1> -> vector<16xf32>
      %reduce_sum3A_294 = vector.extract %reduce_sum3A_293[15] : f32 from vector<16xf32>
      %div3A_295 = vector.broadcast %reduce_sum3A_294 : f32 to vector<16xf32>
      %div3A_296 = arith.divf %exp3A_290, %div3A_295 : vector<16xf32>
      %broadcast_in_dim3A_297 = arith.constant 1.000000e+00 : f32
      %broadcast_in_dim3A_298 = vector.broadcast %broadcast_in_dim3A_297 : f32 to vector<16xf32>
      %div3A_299 = vector.broadcast %reduce_sum3A_294 : f32 to vector<16xf32>
      %div3A_300 = arith.divf %broadcast_in_dim3A_298, %div3A_299 : vector<16xf32>
      %eq3A_301 = arith.cmpf oeq, %div3A_296, %div3A_300 : vector<16xf32>
      %all_reduce_ffs3A_302 = tpu.all_reduce %eq3A_301 {dim = 0 : i64, kind = #tpu.reduction_kind<find_first_set>} : vector<16xi1> -> vector<16xi32>
      %eq3A_303 = arith.cmpi eq, %iota3A, %all_reduce_ffs3A_302 : vector<16xi32>
      %jit3A_304 = arith.constant 0.000000e+00 : f32
      %broadcast_in_dim3A_305 = vector.broadcast %jit3A_304 : f32 to vector<16xf32>
      %select_n3A_306 = arith.select %eq3A_303, %div3A_296, %broadcast_in_dim3A_305 : vector<16xi1>, vector<16xf32>
      %swap3A_307 = arith.index_cast %add3A_280 : i32 to index
      %swap3A_308 = arith.constant 0 : index
      %swap3A_309 = tpu.vector_load %arg5[%swap3A_307, %swap3A_308] {strides = array<i32>} : memref<512x16xf32, #tpu.memory_space<vmem>>, vector<16xf32>,
      tpu.vector_store %arg5[%swap3A_307, %swap3A_308], %select_n3A_306 {strides = array<i32>} : memref<512x16xf32, #tpu.memory_space<vmem>>, vector<16xf32>,
      %add3A_310 = arith.constant 7 : i32
      %add3A_311 = arith.addi %mul3A_100, %add3A_310 : i32
      %get3A_312 = arith.index_cast %add3A_311 : i32 to index
      %get3A_313 = arith.constant 0 : index
      %get3A_314 = tpu.vector_load %arg4[%get3A_312, %get3A_313] {strides = array<i32>} : memref<512x16xf32, #tpu.memory_space<vmem>>, vector<16xf32>,
      %reduce_max3A_315 = arith.constant true
      %reduce_max3A_316 = vector.broadcast %reduce_max3A_315 : i1 to vector<16xi1>
      %reduce_max3A_317 = tpu.scan <max>, %get3A_314 masked %reduce_max3A_316 : vector<16xf32>, vector<16xi1> -> vector<16xf32>
      %reduce_max3A_318 = vector.extract %reduce_max3A_317[15] : f32 from vector<16xf32>
      %sub3A_319 = vector.broadcast %reduce_max3A_318 : f32 to vector<16xf32>
      %sub3A_320 = arith.subf %get3A_314, %sub3A_319 : vector<16xf32>
      %exp3A_321 = math.exp %sub3A_320 : vector<16xf32>
      %reduce_sum3A_322 = arith.constant true
      %reduce_sum3A_323 = vector.broadcast %reduce_sum3A_322 : i1 to vector<16xi1>
      %reduce_sum3A_324 = tpu.scan <sum>, %exp3A_321 masked %reduce_sum3A_323 : vector<16xf32>, vector<16xi1> -> vector<16xf32>
      %reduce_sum3A_325 = vector.extract %reduce_sum3A_324[15] : f32 from vector<16xf32>
      %div3A_326 = vector.broadcast %reduce_sum3A_325 : f32 to vector<16xf32>
      %div3A_327 = arith.divf %exp3A_321, %div3A_326 : vector<16xf32>
      %broadcast_in_dim3A_328 = arith.constant 1.000000e+00 : f32
      %broadcast_in_dim3A_329 = vector.broadcast %broadcast_in_dim3A_328 : f32 to vector<16xf32>
      %div3A_330 = vector.broadcast %reduce_sum3A_325 : f32 to vector<16xf32>
      %div3A_331 = arith.divf %broadcast_in_dim3A_329, %div3A_330 : vector<16xf32>
      %eq3A_332 = arith.cmpf oeq, %div3A_327, %div3A_331 : vector<16xf32>
      %all_reduce_ffs3A_333 = tpu.all_reduce %eq3A_332 {dim = 0 : i64, kind = #tpu.reduction_kind<find_first_set>} : vector<16xi1> -> vector<16xi32>
      %eq3A_334 = arith.cmpi eq, %iota3A, %all_reduce_ffs3A_333 : vector<16xi32>
      %jit3A_335 = arith.constant 0.000000e+00 : f32
      %broadcast_in_dim3A_336 = vector.broadcast %jit3A_335 : f32 to vector<16xf32>
      %select_n3A_337 = arith.select %eq3A_334, %div3A_327, %broadcast_in_dim3A_336 : vector<16xi1>, vector<16xf32>
      %swap3A_338 = arith.index_cast %add3A_311 : i32 to index
      %swap3A_339 = arith.constant 0 : index
      %swap3A_340 = tpu.vector_load %arg5[%swap3A_338, %swap3A_339] {strides = array<i32>} : memref<512x16xf32, #tpu.memory_space<vmem>>, vector<16xf32>,
      tpu.vector_store %arg5[%swap3A_338, %swap3A_339], %select_n3A_337 {strides = array<i32>} : memref<512x16xf32, #tpu.memory_space<vmem>>, vector<16xf32>,
      %add3A_341 = arith.addf %select_n3A, %select_n3A_151 : vector<16xf32>
      %add3A_342 = arith.addf %select_n3A_182, %select_n3A_213 : vector<16xf32>
      %add3A_343 = arith.addf %add3A_341, %add3A_342 : vector<16xf32>
      %add3A_344 = arith.addf %select_n3A_244, %select_n3A_275 : vector<16xf32>
      %add3A_345 = arith.addf %select_n3A_306, %select_n3A_337 : vector<16xf32>
      %add3A_346 = arith.addf %add3A_344, %add3A_345 : vector<16xf32>
      %add3A_347 = arith.addf %add3A_343, %add3A_346 : vector<16xf32>
      %add3A_348 = arith.addf %scan3A_98, %add3A_347 : vector<16xf32>
      scf.yield %add3A_348 : vector<16xf32>
    }
    %scan3A_6 = arith.constant 64 : i32
    %swap3A = arith.constant 0 : index
    %swap3A_7 = tpu.vector_load %arg6[%swap3A] {strides = array<i32>} : memref<16xf32, #tpu.memory_space<vmem>>, vector<16xf32>,
    tpu.vector_store %arg6[%swap3A], %scan3A_5 {strides = array<i32>} : memref<16xf32, #tpu.memory_space<vmem>>, vector<16xf32>,
    "tpu.region"() ({
      %run_scoped3A = tpu.sem_alloc : memref<!tpu.dma_semaphore, #tpu.memory_space<semaphore_mem>>
      %dma_start3A = arith.constant 0 : i32
      %dma_start3A_97 = tpu.memref_slice %arg3[%arg1, %dma_start3A] : memref<8192x16xf32, #tpu.memory_space<hbm>> -> memref<1x16xf32, #tpu.memory_space<hbm>>
      %dma_start3A_98 = tpu.memref_squeeze %dma_start3A_97 : memref<1x16xf32, #tpu.memory_space<hbm>> -> memref<16xf32, #tpu.memory_space<hbm>>
      %dma_start3A_99 = arith.constant 0 : i32
      %dma_start3A_100 = tpu.memref_slice %arg3[%arg1, %dma_start3A_99] : memref<8192x16xf32, #tpu.memory_space<hbm>> -> memref<1x16xf32, #tpu.memory_space<hbm>>
      %dma_start3A_101 = tpu.memref_squeeze %dma_start3A_100 : memref<1x16xf32, #tpu.memory_space<hbm>> -> memref<16xf32, #tpu.memory_space<hbm>>
      tpu.enqueue_dma source(%arg6 : memref<16xf32, #tpu.memory_space<vmem>>) target(%dma_start3A_101 : memref<16xf32, #tpu.memory_space<hbm>>) target_semaphore(%run_scoped3A : memref<!tpu.dma_semaphore, #tpu.memory_space<semaphore_mem>>)
      %dma_wait3A = arith.constant 0 : i32
      %dma_wait3A_102 = tpu.memref_slice %arg3[%arg1, %dma_wait3A] : memref<8192x16xf32, #tpu.memory_space<hbm>> -> memref<1x16xf32, #tpu.memory_space<hbm>>
      %dma_wait3A_103 = tpu.memref_squeeze %dma_wait3A_102 : memref<1x16xf32, #tpu.memory_space<hbm>> -> memref<16xf32, #tpu.memory_space<hbm>>
      %dma_wait3A_104 = arith.constant 0 : i32
      %dma_wait3A_105 = tpu.memref_slice %arg3[%arg1, %dma_wait3A_104] : memref<8192x16xf32, #tpu.memory_space<hbm>> -> memref<1x16xf32, #tpu.memory_space<hbm>>
      %dma_wait3A_106 = tpu.memref_squeeze %dma_wait3A_105 : memref<1x16xf32, #tpu.memory_space<hbm>> -> memref<16xf32, #tpu.memory_space<hbm>>
      tpu.wait_dma2 semaphore(%run_scoped3A : memref<!tpu.dma_semaphore, #tpu.memory_space<semaphore_mem>>) src(%arg6 : memref<16xf32, #tpu.memory_space<vmem>>) dst(%dma_wait3A_106 : memref<16xf32, #tpu.memory_space<hbm>>)
      tpu.yield
    }) : () -> ()
    %barrier3A = arith.constant 0 : index
    tpu.barrier barrier_id(%barrier3A)
    "tpu.region"() ({
      %run_scoped3A = tpu.sem_alloc : memref<!tpu.dma_semaphore, #tpu.memory_space<semaphore_mem>>
      %dma_start3A = arith.constant 0 : i32
      %dma_start3A_97 = arith.constant 0 : i32
      %dma_start3A_98 = tpu.memref_slice %arg3[%dma_start3A, %dma_start3A_97] : memref<8192x16xf32, #tpu.memory_space<hbm>> -> memref<16x16xf32, #tpu.memory_space<hbm>>
      %dma_start3A_99 = arith.constant 0 : i32
      %dma_start3A_100 = arith.constant 0 : i32
      %dma_start3A_101 = tpu.memref_slice %arg3[%dma_start3A_99, %dma_start3A_100] : memref<8192x16xf32, #tpu.memory_space<hbm>> -> memref<16x16xf32, #tpu.memory_space<hbm>>
      tpu.enqueue_dma source(%dma_start3A_101 : memref<16x16xf32, #tpu.memory_space<hbm>>) target(%arg7 : memref<16x16xf32, #tpu.memory_space<vmem>>) target_semaphore(%run_scoped3A : memref<!tpu.dma_semaphore, #tpu.memory_space<semaphore_mem>>)
      %dma_wait3A = arith.constant 0 : i32
      %dma_wait3A_102 = arith.constant 0 : i32
      %dma_wait3A_103 = tpu.memref_slice %arg3[%dma_wait3A, %dma_wait3A_102] : memref<8192x16xf32, #tpu.memory_space<hbm>> -> memref<16x16xf32, #tpu.memory_space<hbm>>
      %dma_wait3A_104 = arith.constant 0 : i32
      %dma_wait3A_105 = arith.constant 0 : i32
      %dma_wait3A_106 = tpu.memref_slice %arg3[%dma_wait3A_104, %dma_wait3A_105] : memref<8192x16xf32, #tpu.memory_space<hbm>> -> memref<16x16xf32, #tpu.memory_space<hbm>>
      tpu.wait_dma2 semaphore(%run_scoped3A : memref<!tpu.dma_semaphore, #tpu.memory_space<semaphore_mem>>) src(%dma_wait3A_106 : memref<16x16xf32, #tpu.memory_space<hbm>>) dst(%arg7 : memref<16x16xf32, #tpu.memory_space<vmem>>)
      tpu.yield
    }) : () -> ()
    %barrier3A_8 = arith.constant 0 : index
    tpu.barrier barrier_id(%barrier3A_8)
    %get3A = arith.constant 0 : i32
    %get3A_9 = arith.index_cast %get3A : i32 to index
    %get3A_10 = arith.constant 0 : index
    %get3A_11 = tpu.vector_load %arg7[%get3A_9, %get3A_10] {strides = array<i32>} : memref<16x16xf32, #tpu.memory_space<vmem>>, vector<16xf32>,
    %get3A_12 = arith.constant 1 : i32
    %get3A_13 = arith.index_cast %get3A_12 : i32 to index
    %get3A_14 = arith.constant 0 : index
    %get3A_15 = tpu.vector_load %arg7[%get3A_13, %get3A_14] {strides = array<i32>} : memref<16x16xf32, #tpu.memory_space<vmem>>, vector<16xf32>,
    %add3A = arith.addf %get3A_11, %get3A_15 : vector<16xf32>
    %get3A_16 = arith.constant 2 : i32
    %get3A_17 = arith.index_cast %get3A_16 : i32 to index
    %get3A_18 = arith.constant 0 : index
    %get3A_19 = tpu.vector_load %arg7[%get3A_17, %get3A_18] {strides = array<i32>} : memref<16x16xf32, #tpu.memory_space<vmem>>, vector<16xf32>,
    %add3A_20 = arith.addf %add3A, %get3A_19 : vector<16xf32>
    %get3A_21 = arith.constant 3 : i32
    %get3A_22 = arith.index_cast %get3A_21 : i32 to index
    %get3A_23 = arith.constant 0 : index
    %get3A_24 = tpu.vector_load %arg7[%get3A_22, %get3A_23] {strides = array<i32>} : memref<16x16xf32, #tpu.memory_space<vmem>>, vector<16xf32>,
    %add3A_25 = arith.addf %add3A_20, %get3A_24 : vector<16xf32>
    %get3A_26 = arith.constant 4 : i32
    %get3A_27 = arith.index_cast %get3A_26 : i32 to index
    %get3A_28 = arith.constant 0 : index
    %get3A_29 = tpu.vector_load %arg7[%get3A_27, %get3A_28] {strides = array<i32>} : memref<16x16xf32, #tpu.memory_space<vmem>>, vector<16xf32>,
    %add3A_30 = arith.addf %add3A_25, %get3A_29 : vector<16xf32>
    %get3A_31 = arith.constant 5 : i32
    %get3A_32 = arith.index_cast %get3A_31 : i32 to index
    %get3A_33 = arith.constant 0 : index
    %get3A_34 = tpu.vector_load %arg7[%get3A_32, %get3A_33] {strides = array<i32>} : memref<16x16xf32, #tpu.memory_space<vmem>>, vector<16xf32>,
    %add3A_35 = arith.addf %add3A_30, %get3A_34 : vector<16xf32>
    %get3A_36 = arith.constant 6 : i32
    %get3A_37 = arith.index_cast %get3A_36 : i32 to index
    %get3A_38 = arith.constant 0 : index
    %get3A_39 = tpu.vector_load %arg7[%get3A_37, %get3A_38] {strides = array<i32>} : memref<16x16xf32, #tpu.memory_space<vmem>>, vector<16xf32>,
    %add3A_40 = arith.addf %add3A_35, %get3A_39 : vector<16xf32>
    %get3A_41 = arith.constant 7 : i32
    %get3A_42 = arith.index_cast %get3A_41 : i32 to index
    %get3A_43 = arith.constant 0 : index
    %get3A_44 = tpu.vector_load %arg7[%get3A_42, %get3A_43] {strides = array<i32>} : memref<16x16xf32, #tpu.memory_space<vmem>>, vector<16xf32>,
    %add3A_45 = arith.addf %add3A_40, %get3A_44 : vector<16xf32>
    %get3A_46 = arith.constant 8 : i32
    %get3A_47 = arith.index_cast %get3A_46 : i32 to index
    %get3A_48 = arith.constant 0 : index
    %get3A_49 = tpu.vector_load %arg7[%get3A_47, %get3A_48] {strides = array<i32>} : memref<16x16xf32, #tpu.memory_space<vmem>>, vector<16xf32>,
    %add3A_50 = arith.addf %add3A_45, %get3A_49 : vector<16xf32>
    %get3A_51 = arith.constant 9 : i32
    %get3A_52 = arith.index_cast %get3A_51 : i32 to index
    %get3A_53 = arith.constant 0 : index
    %get3A_54 = tpu.vector_load %arg7[%get3A_52, %get3A_53] {strides = array<i32>} : memref<16x16xf32, #tpu.memory_space<vmem>>, vector<16xf32>,
    %add3A_55 = arith.addf %add3A_50, %get3A_54 : vector<16xf32>
    %get3A_56 = arith.constant 10 : i32
    %get3A_57 = arith.index_cast %get3A_56 : i32 to index
    %get3A_58 = arith.constant 0 : index
    %get3A_59 = tpu.vector_load %arg7[%get3A_57, %get3A_58] {strides = array<i32>} : memref<16x16xf32, #tpu.memory_space<vmem>>, vector<16xf32>,
    %add3A_60 = arith.addf %add3A_55, %get3A_59 : vector<16xf32>
    %get3A_61 = arith.constant 11 : i32
    %get3A_62 = arith.index_cast %get3A_61 : i32 to index
    %get3A_63 = arith.constant 0 : index
    %get3A_64 = tpu.vector_load %arg7[%get3A_62, %get3A_63] {strides = array<i32>} : memref<16x16xf32, #tpu.memory_space<vmem>>, vector<16xf32>,
    %add3A_65 = arith.addf %add3A_60, %get3A_64 : vector<16xf32>
    %get3A_66 = arith.constant 12 : i32
    %get3A_67 = arith.index_cast %get3A_66 : i32 to index
    %get3A_68 = arith.constant 0 : index
    %get3A_69 = tpu.vector_load %arg7[%get3A_67, %get3A_68] {strides = array<i32>} : memref<16x16xf32, #tpu.memory_space<vmem>>, vector<16xf32>,
    %add3A_70 = arith.addf %add3A_65, %get3A_69 : vector<16xf32>
    %get3A_71 = arith.constant 13 : i32
    %get3A_72 = arith.index_cast %get3A_71 : i32 to index
    %get3A_73 = arith.constant 0 : index
    %get3A_74 = tpu.vector_load %arg7[%get3A_72, %get3A_73] {strides = array<i32>} : memref<16x16xf32, #tpu.memory_space<vmem>>, vector<16xf32>,
    %add3A_75 = arith.addf %add3A_70, %get3A_74 : vector<16xf32>
    %get3A_76 = arith.constant 14 : i32
    %get3A_77 = arith.index_cast %get3A_76 : i32 to index
    %get3A_78 = arith.constant 0 : index
    %get3A_79 = tpu.vector_load %arg7[%get3A_77, %get3A_78] {strides = array<i32>} : memref<16x16xf32, #tpu.memory_space<vmem>>, vector<16xf32>,
    %add3A_80 = arith.addf %add3A_75, %get3A_79 : vector<16xf32>
    %get3A_81 = arith.constant 15 : i32
    %get3A_82 = arith.index_cast %get3A_81 : i32 to index
    %get3A_83 = arith.constant 0 : index
    %get3A_84 = tpu.vector_load %arg7[%get3A_82, %get3A_83] {strides = array<i32>} : memref<16x16xf32, #tpu.memory_space<vmem>>, vector<16xf32>,
    %add3A_85 = arith.addf %add3A_80, %get3A_84 : vector<16xf32>
    %add3A_86 = arith.constant 9.99999997E-7 : f32
    %add3A_87 = vector.broadcast %add3A_86 : f32 to vector<16xf32>
    %add3A_88 = arith.addf %add3A_85, %add3A_87 : vector<16xf32>
    %div3A = arith.constant 8.192000e+03 : f32
    %div3A_89 = vector.broadcast %div3A : f32 to vector<16xf32>
    %div3A_90 = arith.divf %div3A_89, %add3A_88 : vector<16xf32>
    %scan3A_91 = arith.constant 0 : i32
    %scan3A_92 = arith.constant 0 : i32
    %scan3A_93 = arith.constant 64 : i32
    %scan3A_94 = arith.addi %scan3A_92, %scan3A_93 : i32
    %scan3A_95 = arith.constant 1 : i32
    scf.for %scan3A_97 = %scan3A_92 to %scan3A_94 step %scan3A_95  : i32 {
      %mul3A_98 = arith.constant 8 : i32
      %mul3A_99 = arith.muli %scan3A_97, %mul3A_98 : i32
      %add3A_100 = arith.constant 0 : i32
      %add3A_101 = arith.addi %mul3A_99, %add3A_100 : i32
      %get3A_102 = arith.index_cast %add3A_101 : i32 to index
      %get3A_103 = arith.constant 0 : index
      %get3A_104 = tpu.vector_load %arg5[%get3A_102, %get3A_103] {strides = array<i32>} : memref<512x16xf32, #tpu.memory_space<vmem>>, vector<16xf32>,
      %mul3A_105 = arith.mulf %get3A_104, %div3A_90 : vector<16xf32>
      %add3A_106 = arith.constant 0 : i32
      %add3A_107 = arith.addi %mul3A_99, %add3A_106 : i32
      %swap3A_108 = arith.index_cast %add3A_107 : i32 to index
      %swap3A_109 = arith.constant 0 : index
      %swap3A_110 = tpu.vector_load %arg5[%swap3A_108, %swap3A_109] {strides = array<i32>} : memref<512x16xf32, #tpu.memory_space<vmem>>, vector<16xf32>,
      tpu.vector_store %arg5[%swap3A_108, %swap3A_109], %mul3A_105 {strides = array<i32>} : memref<512x16xf32, #tpu.memory_space<vmem>>, vector<16xf32>,
      %add3A_111 = arith.constant 1 : i32
      %add3A_112 = arith.addi %mul3A_99, %add3A_111 : i32
      %get3A_113 = arith.index_cast %add3A_112 : i32 to index
      %get3A_114 = arith.constant 0 : index
      %get3A_115 = tpu.vector_load %arg5[%get3A_113, %get3A_114] {strides = array<i32>} : memref<512x16xf32, #tpu.memory_space<vmem>>, vector<16xf32>,
      %mul3A_116 = arith.mulf %get3A_115, %div3A_90 : vector<16xf32>
      %add3A_117 = arith.constant 1 : i32
      %add3A_118 = arith.addi %mul3A_99, %add3A_117 : i32
      %swap3A_119 = arith.index_cast %add3A_118 : i32 to index
      %swap3A_120 = arith.constant 0 : index
      %swap3A_121 = tpu.vector_load %arg5[%swap3A_119, %swap3A_120] {strides = array<i32>} : memref<512x16xf32, #tpu.memory_space<vmem>>, vector<16xf32>,
      tpu.vector_store %arg5[%swap3A_119, %swap3A_120], %mul3A_116 {strides = array<i32>} : memref<512x16xf32, #tpu.memory_space<vmem>>, vector<16xf32>,
      %add3A_122 = arith.constant 2 : i32
      %add3A_123 = arith.addi %mul3A_99, %add3A_122 : i32
      %get3A_124 = arith.index_cast %add3A_123 : i32 to index
      %get3A_125 = arith.constant 0 : index
      %get3A_126 = tpu.vector_load %arg5[%get3A_124, %get3A_125] {strides = array<i32>} : memref<512x16xf32, #tpu.memory_space<vmem>>, vector<16xf32>,
      %mul3A_127 = arith.mulf %get3A_126, %div3A_90 : vector<16xf32>
      %add3A_128 = arith.constant 2 : i32
      %add3A_129 = arith.addi %mul3A_99, %add3A_128 : i32
      %swap3A_130 = arith.index_cast %add3A_129 : i32 to index
      %swap3A_131 = arith.constant 0 : index
      %swap3A_132 = tpu.vector_load %arg5[%swap3A_130, %swap3A_131] {strides = array<i32>} : memref<512x16xf32, #tpu.memory_space<vmem>>, vector<16xf32>,
      tpu.vector_store %arg5[%swap3A_130, %swap3A_131], %mul3A_127 {strides = array<i32>} : memref<512x16xf32, #tpu.memory_space<vmem>>, vector<16xf32>,
      %add3A_133 = arith.constant 3 : i32
      %add3A_134 = arith.addi %mul3A_99, %add3A_133 : i32
      %get3A_135 = arith.index_cast %add3A_134 : i32 to index
      %get3A_136 = arith.constant 0 : index
      %get3A_137 = tpu.vector_load %arg5[%get3A_135, %get3A_136] {strides = array<i32>} : memref<512x16xf32, #tpu.memory_space<vmem>>, vector<16xf32>,
      %mul3A_138 = arith.mulf %get3A_137, %div3A_90 : vector<16xf32>
      %add3A_139 = arith.constant 3 : i32
      %add3A_140 = arith.addi %mul3A_99, %add3A_139 : i32
      %swap3A_141 = arith.index_cast %add3A_140 : i32 to index
      %swap3A_142 = arith.constant 0 : index
      %swap3A_143 = tpu.vector_load %arg5[%swap3A_141, %swap3A_142] {strides = array<i32>} : memref<512x16xf32, #tpu.memory_space<vmem>>, vector<16xf32>,
      tpu.vector_store %arg5[%swap3A_141, %swap3A_142], %mul3A_138 {strides = array<i32>} : memref<512x16xf32, #tpu.memory_space<vmem>>, vector<16xf32>,
      %add3A_144 = arith.constant 4 : i32
      %add3A_145 = arith.addi %mul3A_99, %add3A_144 : i32
      %get3A_146 = arith.index_cast %add3A_145 : i32 to index
      %get3A_147 = arith.constant 0 : index
      %get3A_148 = tpu.vector_load %arg5[%get3A_146, %get3A_147] {strides = array<i32>} : memref<512x16xf32, #tpu.memory_space<vmem>>, vector<16xf32>,
      %mul3A_149 = arith.mulf %get3A_148, %div3A_90 : vector<16xf32>
      %add3A_150 = arith.constant 4 : i32
      %add3A_151 = arith.addi %mul3A_99, %add3A_150 : i32
      %swap3A_152 = arith.index_cast %add3A_151 : i32 to index
      %swap3A_153 = arith.constant 0 : index
      %swap3A_154 = tpu.vector_load %arg5[%swap3A_152, %swap3A_153] {strides = array<i32>} : memref<512x16xf32, #tpu.memory_space<vmem>>, vector<16xf32>,
      tpu.vector_store %arg5[%swap3A_152, %swap3A_153], %mul3A_149 {strides = array<i32>} : memref<512x16xf32, #tpu.memory_space<vmem>>, vector<16xf32>,
      %add3A_155 = arith.constant 5 : i32
      %add3A_156 = arith.addi %mul3A_99, %add3A_155 : i32
      %get3A_157 = arith.index_cast %add3A_156 : i32 to index
      %get3A_158 = arith.constant 0 : index
      %get3A_159 = tpu.vector_load %arg5[%get3A_157, %get3A_158] {strides = array<i32>} : memref<512x16xf32, #tpu.memory_space<vmem>>, vector<16xf32>,
      %mul3A_160 = arith.mulf %get3A_159, %div3A_90 : vector<16xf32>
      %add3A_161 = arith.constant 5 : i32
      %add3A_162 = arith.addi %mul3A_99, %add3A_161 : i32
      %swap3A_163 = arith.index_cast %add3A_162 : i32 to index
      %swap3A_164 = arith.constant 0 : index
      %swap3A_165 = tpu.vector_load %arg5[%swap3A_163, %swap3A_164] {strides = array<i32>} : memref<512x16xf32, #tpu.memory_space<vmem>>, vector<16xf32>,
      tpu.vector_store %arg5[%swap3A_163, %swap3A_164], %mul3A_160 {strides = array<i32>} : memref<512x16xf32, #tpu.memory_space<vmem>>, vector<16xf32>,
      %add3A_166 = arith.constant 6 : i32
      %add3A_167 = arith.addi %mul3A_99, %add3A_166 : i32
      %get3A_168 = arith.index_cast %add3A_167 : i32 to index
      %get3A_169 = arith.constant 0 : index
      %get3A_170 = tpu.vector_load %arg5[%get3A_168, %get3A_169] {strides = array<i32>} : memref<512x16xf32, #tpu.memory_space<vmem>>, vector<16xf32>,
      %mul3A_171 = arith.mulf %get3A_170, %div3A_90 : vector<16xf32>
      %add3A_172 = arith.constant 6 : i32
      %add3A_173 = arith.addi %mul3A_99, %add3A_172 : i32
      %swap3A_174 = arith.index_cast %add3A_173 : i32 to index
      %swap3A_175 = arith.constant 0 : index
      %swap3A_176 = tpu.vector_load %arg5[%swap3A_174, %swap3A_175] {strides = array<i32>} : memref<512x16xf32, #tpu.memory_space<vmem>>, vector<16xf32>,
      tpu.vector_store %arg5[%swap3A_174, %swap3A_175], %mul3A_171 {strides = array<i32>} : memref<512x16xf32, #tpu.memory_space<vmem>>, vector<16xf32>,
      %add3A_177 = arith.constant 7 : i32
      %add3A_178 = arith.addi %mul3A_99, %add3A_177 : i32
      %get3A_179 = arith.index_cast %add3A_178 : i32 to index
      %get3A_180 = arith.constant 0 : index
      %get3A_181 = tpu.vector_load %arg5[%get3A_179, %get3A_180] {strides = array<i32>} : memref<512x16xf32, #tpu.memory_space<vmem>>, vector<16xf32>,
      %mul3A_182 = arith.mulf %get3A_181, %div3A_90 : vector<16xf32>
      %add3A_183 = arith.constant 7 : i32
      %add3A_184 = arith.addi %mul3A_99, %add3A_183 : i32
      %swap3A_185 = arith.index_cast %add3A_184 : i32 to index
      %swap3A_186 = arith.constant 0 : index
      %swap3A_187 = tpu.vector_load %arg5[%swap3A_185, %swap3A_186] {strides = array<i32>} : memref<512x16xf32, #tpu.memory_space<vmem>>, vector<16xf32>,
      tpu.vector_store %arg5[%swap3A_185, %swap3A_186], %mul3A_182 {strides = array<i32>} : memref<512x16xf32, #tpu.memory_space<vmem>>, vector<16xf32>,
    }
    %scan3A_96 = arith.constant 64 : i32
    "tpu.region"() ({
      %run_scoped3A = tpu.sem_alloc : memref<!tpu.dma_semaphore, #tpu.memory_space<semaphore_mem>>
      %dma_start3A = arith.constant 0 : i32
      %dma_start3A_97 = tpu.memref_slice %arg3[%mul3A_0, %dma_start3A] : memref<8192x16xf32, #tpu.memory_space<hbm>> -> memref<512x16xf32, #tpu.memory_space<hbm>>
      %dma_start3A_98 = arith.constant 0 : i32
      %dma_start3A_99 = tpu.memref_slice %arg3[%mul3A_0, %dma_start3A_98] : memref<8192x16xf32, #tpu.memory_space<hbm>> -> memref<512x16xf32, #tpu.memory_space<hbm>>
      tpu.enqueue_dma source(%arg5 : memref<512x16xf32, #tpu.memory_space<vmem>>) target(%dma_start3A_99 : memref<512x16xf32, #tpu.memory_space<hbm>>) target_semaphore(%run_scoped3A : memref<!tpu.dma_semaphore, #tpu.memory_space<semaphore_mem>>)
      %dma_wait3A = arith.constant 0 : i32
      %dma_wait3A_100 = tpu.memref_slice %arg3[%mul3A_0, %dma_wait3A] : memref<8192x16xf32, #tpu.memory_space<hbm>> -> memref<512x16xf32, #tpu.memory_space<hbm>>
      %dma_wait3A_101 = arith.constant 0 : i32
      %dma_wait3A_102 = tpu.memref_slice %arg3[%mul3A_0, %dma_wait3A_101] : memref<8192x16xf32, #tpu.memory_space<hbm>> -> memref<512x16xf32, #tpu.memory_space<hbm>>
      tpu.wait_dma2 semaphore(%run_scoped3A : memref<!tpu.dma_semaphore, #tpu.memory_space<semaphore_mem>>) src(%arg5 : memref<512x16xf32, #tpu.memory_space<vmem>>) dst(%dma_wait3A_102 : memref<512x16xf32, #tpu.memory_space<hbm>>)
      tpu.yield
    }) : () -> ()
    return
  }
}

module attributes {stable_mosaic.version = 14 : i64} {
  func.func @_mm_body(%arg0: i32, %arg1: memref<1024x2048xf32, #tpu.memory_space<vmem>>, %arg2: memref<16x2048xf32, #tpu.memory_space<vmem>>, %arg3: memref<1x16xf32, #tpu.memory_space<vmem>>, %arg4: memref<1024x16xf32, #tpu.memory_space<vmem>>) attributes {dimension_semantics = [#tpu.dimension_semantics<arbitrary>], iteration_bounds = array<i64: 8>, scalar_prefetch = 0 : i64, scratch_operands = 0 : i64, tpu.core_type = #tpu.core_type<tc>, window_params = [{transform_indices = @transform_0, window_bounds = array<i64: 1024, 2048>}, {pipeline_mode = #tpu.pipeline_mode<synchronous>, transform_indices = @transform_1, window_bounds = array<i64: 16, 2048>}, {pipeline_mode = #tpu.pipeline_mode<synchronous>, transform_indices = @transform_2, window_bounds = array<i64: 1, 16>}, {transform_indices = @transform_3, window_bounds = array<i64: 1024, 16>}]} {
    %get3A = arith.constant 0 : index
    %get3A_0 = arith.constant 0 : index
    %get3A_1 = vector.load %arg1[%get3A, %get3A_0] : memref<1024x2048xf32, #tpu.memory_space<vmem>>, vector<1024x2048xf32>
    %get3A_2 = arith.constant 0 : index
    %get3A_3 = arith.constant 0 : index
    %get3A_4 = vector.load %arg2[%get3A_2, %get3A_3] : memref<16x2048xf32, #tpu.memory_space<vmem>>, vector<16x2048xf32>
    %dot_general3A = arith.constant dense<0.000000e+00> : vector<1024x16xf32>
    %dot_general3A_5 = tpu.matmul %get3A_1, %get3A_4, %dot_general3A {dimension_numbers = #tpu.dot_dimension_numbers<[1], [1], [0], [0], [0, 0, 1, 0], [], []>, transpose_lhs_hint = false} : vector<1024x2048xf32>, vector<16x2048xf32>, vector<1024x16xf32> -> vector<1024x16xf32>
    %get3A_6 = arith.constant 0 : index
    %get3A_7 = arith.constant 0 : index
    %get3A_8 = vector.load %arg3[%get3A_6, %get3A_7] : memref<1x16xf32, #tpu.memory_space<vmem>>, vector<1x16xf32>
    %add3A = vector.broadcast %get3A_8 : vector<1x16xf32> to vector<1024x16xf32>
    %add3A_9 = arith.addf %dot_general3A_5, %add3A : vector<1024x16xf32>
    %swap3A = arith.constant 0 : index
    %swap3A_10 = arith.constant 0 : index
    %swap3A_11 = vector.load %arg4[%swap3A, %swap3A_10] : memref<1024x16xf32, #tpu.memory_space<vmem>>, vector<1024x16xf32>
    tpu.vector_store %arg4[%swap3A, %swap3A_10], %add3A_9 {strides = array<i32>} : memref<1024x16xf32, #tpu.memory_space<vmem>>, vector<1024x16xf32>,
    return
  }
  func.func @transform_0(%arg0: i32) -> (i32, i32) {
    %c0_i32 = arith.constant 0 : i32
    %c0_i32_0 = arith.constant 0 : i32
    return %arg0, %c0_i32 : i32, i32
  }
  func.func @transform_1(%arg0: i32) -> (i32, i32) {
    %c0_i32 = arith.constant 0 : i32
    %c0_i32_0 = arith.constant 0 : i32
    %c0_i32_1 = arith.constant 0 : i32
    return %c0_i32, %c0_i32_0 : i32, i32
  }
  func.func @transform_2(%arg0: i32) -> (i32, i32) {
    %c0_i32 = arith.constant 0 : i32
    %c0_i32_0 = arith.constant 0 : i32
    %c0_i32_1 = arith.constant 0 : i32
    return %c0_i32, %c0_i32_0 : i32, i32
  }
  func.func @transform_3(%arg0: i32) -> (i32, i32) {
    %c0_i32 = arith.constant 0 : i32
    %c0_i32_0 = arith.constant 0 : i32
    return %arg0, %c0_i32 : i32, i32
  }
}

</mosaic_0001>

<sc_bundles>
// kernel: kernel.4.cloned.1.call-start
scs
__scs_entry_jumppad:
0x0: {  	(pc) =	sbr.rel $0x88, $3  }
0x1: {  	(tag) =	ssettag $0x0;
	lr =	simm.s32 $0x1  }
0x2: {  	[smem:$0x3F9E] =	sst lr;
	_ =	strace $0xD0000000  }
0x3: {  	_ = 	snop  }
0x4: {  	_ = 	snop  }
0x5: {  	_ = 	snop  }
0x6: {  	_ = 	snop  }
0x7: {  	_ = 	snop  }
__scs_overlays_trampoline_lowered:
0x8: {  	[smem:$0x3FAD] =	sst s0  }
0x9: {  	[smem:$0x3FAE] =	sst s1  }
0xa: {  	[smem:$0x3FAF] =	sst s2  }
0xb: {  	[smem:$0x3FB0] =	sst s3  }
0xc: {  	[smem:$0x3FB1] =	sst s4  }
0xd: {  	[smem:$0x3FB2] =	sst s5  }
0xe: {  	[smem:$0x3FB3] =	sst s6  }
0xf: {  	[smem:$0x3FB4] =	sst s7  }
0x10: {  	[smem:$0x3FB5] =	sst s8  }
0x11: {  	[smem:$0x3FB6] =	sst s9;
	s0 =	simm.s32 @!p0 $0x0  }
0x12: {  	s1 =	sld [smem:$0x3F9C];
	s0 =	simm.s32 @p0 $0x1  }
0x13: {  	[smem:$0x3FB7] =	sst s0;
	s0 =	simm.s32 @!p1 $0x0  }
0x14: {  	s2 =	sld [smem:$0x3F9B];
	s0 =	simm.s32 @p1 $0x1  }
0x15: {  	[smem:$0x3FB8] =	sst s0;
	s0 =	simm.s32 @!p2 $0x0  }
0x16: {  	s3 =	sld [smem:$0x3FDB];
	s0 =	simm.s32 @p2 $0x1  }
0x17: {  	s4 =	simm.s32 $0x1BF5;
	[smem:$0x3FBA] =	sst s0  }
0x18: {  	s0 =	sld [smem:$0x3F9D];
	_ =	swait.ge [sflag:s4], $0x0  }
0x19: {  	s7 =	sld [smem:$0x3F9E]  }
0x1a: {  	s8 =	sadd.s32 $0xFFFFE003, lr  }
0x1b: {  	s9 =	sadd.s32 $0xFFFFFEF7, lr;
	s5 =	simm.s32 $0xFFFFFFFF;
	p2 =	slt.u32 s8, $0xFFFFF086  }
0x1c: {  	p1 =	slt.u32 s9, $0xF7A;
	s5 =	simm.s32 @!p2 $0x0  }
0x1d: {  	s5 =	simm.s32 @p1 $0x1;
	p0 =	seq.s32 s7, s2  }
0x1e: {  	s7 =	smul.u32 @!p0 $0xF7A, s2;
	p2 =	seq.s32 @!p0 s5, $0x0  }
0x1f: {  	s9 =	smul.u32 $0xF7A, s1;
	s8 =	simm.s32 @!p0 $0x1BF5;
	p2 =	por !p2, p0  }
0x20: {  	[sflag:s8] =	ssyncset.s32 @!p0 $0xFFFFF086;
	s6 =	sadd.s32 @!p0 s3, s7;
	s7 =	simm.s32 @!p0 $0x108  }
0x21: {  	s3 =	sadd.s32 s3, s9;
	s6 =	sadd.s32 @!p0 $0x88, s6;
	s7 =	simm.s32 @p2 $0x1082  }
0x22: {  	[simem:s7], [sflag:s8] =	dma.local @!p0 [hbm:s6], $0xF7A  }
0x23: {  	s9 =	sor.u32 $0xD0000000, s2;
	s6 =	simm.s32 $0x108;
	_ =	swait.ge @!p0 [sflag:s8], $0x0  }
0x24: {  	s3 =	sadd.s32 $0x88, s3;
	s6 =	simm.s32 @!p1 $0x1082;
	[sflag:s4] =	ssyncset.s32 $0xFFFFF086  }
0x25: {  	[simem:s6], [sflag:s4] =	dma.local [hbm:s3], $0xF7A  }
0x26: {  	[smem:$0x3F9E] =	sst s1;
	(tag) =	ssettag s2;
	_ =	strace s9  }
0x27: {  	s1 =	sld [smem:$0x3FAE]  }
0x28: {  	s2 =	sld [smem:$0x3FAF]  }
0x29: {  	s4 =	sld [smem:$0x3FB1]  }
0x2a: {  	p0 =	seq.s32 s5, $0x0;
	s5 =	sld [smem:$0x3FB2]  }
0x2b: {  	s6 =	sld [smem:$0x3FB3]  }
0x2c: {  	s7 =	sld [smem:$0x3FB4]  }
0x2d: {  	s3 =	simm.s32 $0x108;
	s8 =	sld [smem:$0x3FB5]  }
0x2e: {  	s3 =	simm.s32 @!p0 $0x1082;
	s9 =	sld [smem:$0x3FB6]  }
0x2f: {  	lr =	sadd.s32 s0, s3;
	s0 =	sld [smem:$0x3FAD]  }
0x30: {  	s3 =	sld [smem:$0x3FB0]  }
0x31: {  	[smem:$0x3FB9] =	sst s10  }
0x32: {  	s10 =	sld [smem:$0x3FB7];
	_ =	sdelay $0x3  }
0x33: {  	p0 =	seq.s32 s10, $0x1;
	s10 =	sld [smem:$0x3FB9];
	_ =	sdelay $0x3  }
0x34: {  	[smem:$0x3FB9] =	sst s10  }
0x35: {  	s10 =	sld [smem:$0x3FB8];
	_ =	sdelay $0x3  }
0x36: {  	p1 =	seq.s32 s10, $0x1;
	s10 =	sld [smem:$0x3FB9];
	_ =	sdelay $0x3  }
0x37: {  	[smem:$0x3FB9] =	sst s10  }
0x38: {  	s10 =	sld [smem:$0x3FBA]  }
0x39: {  	_ = 	snop;
	(pc) =	sbr.ind lr, $3  }
0x3a: {  	_ = 	snop  }
0x3b: {  	_ = 	snop  }
0x3c: {  	p2 =	seq.s32 s10, $0x1;
	s10 =	sld [smem:$0x3FB9]  }
0x3d: {  	_ =	shalt  }
0x3e: {  	_ =	shalt  }
0x3f: {  	_ =	shalt  }
0x40: {  	_ =	shalt  }
0x41: {  	_ =	shalt  }
0x42: {  	_ =	shalt  }
0x43: {  	_ =	shalt  }
0x44: {  	_ =	shalt  }
0x45: {  	_ =	shalt  }
0x46: {  	_ =	shalt  }
0x47: {  	_ =	shalt  }
0x48: {  	_ =	shalt  }
0x49: {  	_ =	shalt  }
0x4a: {  	_ =	shalt  }
0x4b: {  	_ =	shalt  }
0x4c: {  	_ =	shalt  }
0x4d: {  	_ =	shalt  }
0x4e: {  	_ =	shalt  }
0x4f: {  	_ =	shalt  }
0x50: {  	_ =	shalt  }
0x51: {  	_ =	shalt  }
0x52: {  	_ =	shalt  }
0x53: {  	_ =	shalt  }
0x54: {  	_ =	shalt  }
0x55: {  	_ =	shalt  }
0x56: {  	_ =	shalt  }
0x57: {  	_ =	shalt  }
0x58: {  	_ =	shalt  }
0x59: {  	_ =	shalt  }
0x5a: {  	_ =	shalt  }
0x5b: {  	_ =	shalt  }
0x5c: {  	_ =	shalt  }
0x5d: {  	_ =	shalt  }
0x5e: {  	_ =	shalt  }
0x5f: {  	_ =	shalt  }
0x60: {  	_ =	shalt  }
0x61: {  	_ =	shalt  }
0x62: {  	_ =	shalt  }
0x63: {  	_ =	shalt  }
0x64: {  	_ =	shalt  }
0x65: {  	_ =	shalt  }
0x66: {  	_ =	shalt  }
0x67: {  	_ =	shalt  }
0x68: {  	_ =	shalt  }
0x69: {  	_ =	shalt  }
0x6a: {  	_ =	shalt  }
0x6b: {  	_ =	shalt  }
0x6c: {  	_ =	shalt  }
0x6d: {  	_ =	shalt  }
0x6e: {  	_ =	shalt  }
0x6f: {  	_ =	shalt  }
0x70: {  	_ =	shalt  }
0x71: {  	_ =	shalt  }
0x72: {  	_ =	shalt  }
0x73: {  	_ =	shalt  }
0x74: {  	_ =	shalt  }
0x75: {  	_ =	shalt  }
0x76: {  	_ =	shalt  }
0x77: {  	_ =	shalt  }
0x78: {  	_ =	shalt  }
0x79: {  	_ =	shalt  }
0x7a: {  	_ =	shalt  }
0x7b: {  	_ =	shalt  }
0x7c: {  	_ =	shalt  }
0x7d: {  	_ =	shalt  }
0x7e: {  	_ =	shalt  }
0x7f: {  	_ =	shalt  }
0x80: {  	_ =	shalt  }
0x81: {  	_ =	shalt  }
0x82: {  	_ =	shalt  }
0x83: {  	_ =	shalt  }
0x84: {  	_ =	shalt  }
0x85: {  	_ =	shalt  }
0x86: {  	_ =	shalt  }
0x87: {  	_ =	shalt  }
.Lfunc_end0:
.L_simem_size_0:
called_computation_lowered:
.L_overlay_start_0:
0x88: {  	s0 =	sld [smem:$0x3FD9]  }
0x89: {  	s1 =	sld [smem:$0x3FFE];
	_ =	sdelay $0x3  }
0x8a: {  	s0 =	sadd.s32 s1, s0  }
0x8b: {  	[smem:$0x3FC5] =	sst s0  }
0x8c: {  	_ = 	snop  }
0x8d: {  	s0 =	sld [smem:$0x3FD0];
	(tm) =	ssettm $0x1  }
0x8e: {  	s16 =	sld [smem:$0x3FFB];
	_ =	sdelay $0x3  }
0x8f: {  	_ =	strace s16  }
0x90: {  	s1 =	sld [smem:$0x3FFC];
	_ =	sdelay $0x3  }
0x91: {  	_ =	strace s1  }
0x92: {  	s1 =	sld [smem:$0x3FFD];
	_ =	sdelay $0x3  }
0x93: {  	_ =	strace s1  }
0x94: {  	_ =	strace $0x8FFFFFFF  }
0x95: {  	s17 =	sld [smem:$0x3FDB];
	_ =	sdelay $0x1  }
0x96: {  	s2 =	simm.s32 $_scs_section_size  }
0x97: {  	s3 =	simm.s32 $_size__tile_overlayer_lowered;
	s4 =	simm.s32 $_tile_overlayer_lowered  }
0x98: {  	s20 =	simm.s32 $0x1BFF;
	s19 =	sshll.u32 s4, $0x1;
	s1 =	sadd.s32 s2, s17  }
0x99: {  	s5 =	simm.s32 $0x0;
	s18 =	sshll.u32 s3, $0x1;
	s3 =	sadd.s32 s19, s1  }
0x9a: {  	[timem:s5], [sflag:s20] =	dma.local [hbm:s3], s18  }
0x9b: {  	_ =	swait.ge [sflag:s20], s18  }
0x9c: {  	s2 =	ssub.s32 $0x0, s18;
	[sflag:s20] =	ssyncset.done $0x0  }
0x9d: {  	[sflag:s20] =	ssyncadd.s32 s2;
	_ =	sdelay $0x1  }
0x9e: {  	s21 =	simm.s32 $0x1B8B  }
0x9f: {  	_ =	swait.ge [sflag:s21], $0x1  }
0xa0: {  	[sflag:s21] =	ssyncset.done $0x0  }
0xa1: {  	s23 =	simm.s32 $0x1B8E;
	s22 =	sld [smem:$0x3FFE];
	[sflag:s21] =	ssyncadd.s32 $0xFFFFFFFF  }
0xa2: {  	s24 =	simm.s32 $execute0_lowered;
	[smem:$0x3FD2] =	sst s23  }
0xa3: {  	s3 =	sshll.u32 s24, $0x1;
	_ =	strace $0x80000046;
	[dreg:$0x1] =	wrdreg $0xFFFFFFFF  }
0xa4: {  	s25 =	simm.s32 $_size_execute0_lowered;
	s1 =	sadd.s32 s1, s3;
	[dreg:$0x0] =	wrdreg $0x0  }
0xa5: {  	s3 =	sshll.u32 s25, $0x1;
	[dreg:$0x2] =	wrdreg s1  }
0xa6: {  	[dreg:$0x3] =	wrdreg s3  }
0xa7: {  	[dreg:$0x4] =	wrdreg $0xC0  }
0xa8: {  	_ =	task [dreg:s5], $0x5FFFF  }
0xa9: {  	[dreg:$0x1] =	wrdreg $0xFFFFFFFF  }
0xaa: {  	[dreg:$0x0] =	wrdreg $0x60  }
0xab: {  	[dreg:$0x2] =	wrdreg s0  }
0xac: {  	[dreg:$0x3] =	wrdreg s22  }
0xad: {  	[dreg:$0x4] =	wrdreg $0x9  }
0xae: {  	_ =	task.clear_ibuf [dreg:s5], $0x5FFFF;
	_ =	strace $0x90000046  }
0xaf: {  	s26 =	simm.s32 $0x9;
	_ =	strace $0x80000048  }
0xb0: {  	_ =	swait.ge [sflag:s26], $0x1  }
0xb1: {  	[sflag:s26] =	ssyncadd.s32 $0xFFFFFFFF  }
0xb2: {  	_ =	strace $0x90000048  }
0xb3: {  	_ =	sfence  }
0xb4: {  	s28 =	sld [smem:$0x0];
	_ =	sdelay $0x1  }
0xb5: {  	s29 =	srdreg.scid  }
0xb6: {  	s30 =	sshll.u32 s29, $0xD;
	s31 =	sshrl.u32 s29, $0x2  }
0xb7: {  	s2 =	sand.u32 $0x4000, s30;
	s1 =	sand.u32 $0x1, s29;
	s0 =	sadd.s32 s31, s28  }
0xb8: {  	s1 =	sor.u32 s2, s1;
	s0 =	sshll.u32 s0, $0x11  }
0xb9: {  	s0 =	sor.u32 s0, s1  }
0xba: {  	s0 =	sadd.s32 $0x8F2B, s0  }
0xbb: {  	[sflag:s0] =	ssyncadd.remote.s32 $0x1  }
0xbc: {  	_ =	sfence.sel $0xFFFF  }
0xbd: {  	[dreg:$0x0] =	wrdreg $0xFFFFFFFF;
	(pc) =	sbr.abs _section_cstart, $3  }
0xbe: {  	[dreg:$0x1] =	wrdreg $0xFFFFFFFF  }
0xbf: {  	_ =	task.clear_ibuf [dreg:s5], $0x2FFFF;
	_ =	strace $0x9FFFFFFF  }
0xc0: {  	(tm) =	ssettm $0x7FFFFFFF  }
0xc1: {  	_ =	shalt  }
tec
execute0_lowered:
.L_overlay_start_1:
0x0: {  	(tag) =	ssettag $0x1  }
0x1: {  	s3 =	rddreg [dreg:$0x0]  }
0x2: {  	s5 =	rddreg [dreg:$0x1]  }
0x3: {  	s0 =	rddreg [dreg:$0x2];
	s4 =	simm.s32 $0x0;
	s1 =	stileid.u32  }
0x4: {  	[smem:$0x7FF] =	sst s4;
	s2 =	sshll.u32 s1, $0xA  }
0x5: {  	s31 =	simm.s32 $0x1;
	_ =	strace $0x80000047;
	s3 =	sadd.s32 s3, s2  }
0x6: {  	[tilespmem:s4], [sflag:$0x1] =	stream.linear.gather [hbm4b:s3+s4], $0x2000, $0x38;
	[tilespmem:$0x4110] =	vst v63  }
0x7: {  	_ =	swait.ge [sflag:s31], $0x2000  }
0x8: {  	[sflag:s31] =	ssyncset.done $0x0  }
0x9: {  	s3 =	simm.s32 $0x0;
	[sflag:s31] =	ssyncadd.s32 $0xFFFFE000  }
0xa: {  	v0 =	vld [tilespmem:s3+$0x70]  }
0xb: {  	v1 =	vld [tilespmem:s3+$0x20]  }
0xc: {  	v2 =	vld [tilespmem:s3+$0x60]  }
0xd: {  	v4 =	vld [tilespmem:s3+$0x30]  }
0xe: {  	v3 =	vld [tilespmem:s3+$0x0]  }
0xf: {  	v5 =	vld [tilespmem:s3+$0x40];
	(xrf0) =	vmax.scan.msk.f32 $0xffff, v0  }
0x10: {  	(xrf0) =	vmax.scan.msk.f32 $0xffff, v1  }
0x11: {  	(xrf0) =	vmax.scan.msk.f32 $0xffff, v2  }
0x12: {  	(xrf0) =	vmax.scan.msk.f32 $0xffff, v4  }
0x13: {  	(xrf0) =	vmax.scan.msk.f32 $0xffff, v3  }
0x14: {  	v6 =	vld [tilespmem:s3+$0x50];
	(xrf0) =	vmax.scan.msk.f32 $0xffff, v5  }
0x15: {  	v7, _, _ =	vpop (xrf0)  }
0x16: {  	v8, _, _ =	vpop (xrf0)  }
0x17: {  	v9, _, _ =	vpop (xrf0)  }
0x18: {  	v8 =	vbroadcast v8, $0xF;
	v10, _, _ =	vpop (xrf0)  }
0x19: {  	v7 =	vbroadcast v7, $0xF;
	(xrf0) =	vmax.scan.msk.f32 $0xffff, v6;
	v11, _, _ =	vpop (xrf0)  }
0x1a: {  	v1 =	vsub.f32 v1, v8;
	v12, _, _ =	vpop (xrf0)  }
0x1b: {  	v9 =	vbroadcast v9, $0xF;
	v0 =	vsub.f32 v0, v7;
	v8 =	vbroadcast v12, $0xF  }
0x1c: {  	v1 =	vmul.f32 $1.442695020e+00, v1  }
0x1d: {  	v2 =	vsub.f32 v2, v9;
	v0 =	vmul.f32 $1.442695020e+00, v0  }
0x1e: {  	v7 =	vbroadcast v11, $0xF;
	v12 =	vld [tilespmem:s3+$0x10];
	v5 =	vsub.f32 v5, v8;
	(erf) = vpow2.f32 v1  }
0x1f: {  	v2 =	vmul.f32 $1.442695020e+00, v2;
	(erf) = vpow2.f32 v0;
	v8, _, _ =	vpop (xrf0)  }
0x20: {  	s4 =	simm.s32 $0x80;
	v3 =	vsub.f32 v3, v7;
	v1 =	vmul.f32 $1.442695020e+00, v5;
	v0 =	vbroadcast v8, $0xF  }
0x21: {  	(erf) = vpow2.f32 v2;
	v2 =	vld [tilespmem:s4+$0x70]  }
0x22: {  	v3 =	vmul.f32 $1.442695020e+00, v3;
	(erf) = vpow2.f32 v1;
	v0 =	vsub.f32 v6, v0  }
0x23: {  	(xrf0) =	vmax.scan.msk.f32 $0xffff, v12;
	v1 =	vld [tilespmem:s4+$0x20]  }
0x24: {  	(erf) = vpow2.f32 v3;
	v0 =	vmul.f32 $1.442695020e+00, v0;
	_ =	sdelay $0x1  }
0x25: {  	v5 =	vld [tilespmem:s4+$0x60];
	(xrf0) =	vmax.scan.msk.f32 $0xffff, v2;
	(erf) = vpow2.f32 v0  }
0x26: {  	v8 =	vld [tilespmem:s4+$0x30];
	v14 =	vpop (erf)  }
0x27: {  	v6 =	vld [tilespmem:s4+$0x0];
	(xrf0) =	vmax.scan.msk.f32 $0xffff, v1;
	v18 =	vpop (erf)  }
0x28: {  	v9 =	vld [tilespmem:s4+$0x40];
	v0, _, _ =	vpop (xrf0)  }
0x29: {  	v7 =	vpop (erf)  }
0x2a: {  	(xrf0) =	vmax.scan.msk.f32 $0xffff, v5;
	v20 =	vpop (erf)  }
0x2b: {  	v10 =	vbroadcast v10, $0xF;
	(xrf0) =	vmax.scan.msk.f32 $0xffff, v8;
	v11, _, _ =	vpop (xrf0)  }
0x2c: {  	v15 =	vld [tilespmem:s4+$0x50];
	(xrf0) =	vmax.scan.msk.f32 $0xffff, v6;
	v3 =	vpop (erf)  }
0x2d: {  	v4 =	vsub.f32 v4, v10;
	v13, _, _ =	vpop (xrf0);
	(xrf0) =	vmax.scan.msk.f32 $0xffff, v9  }
0x2e: {  	(xrf2) =	vadd.scan.msk.f32 $0xffff, v18;
	v11 =	vbroadcast v11, $0xF;
	v16 =	vpop (erf)  }
0x2f: {  	v4 =	vmul.f32 $1.442695020e+00, v4;
	v13 =	vbroadcast v13, $0xF;
	(xrf2) =	vadd.scan.msk.f32 $0xffff, v16  }
0x30: {  	v10 =	vld [tilespmem:s4+$0x10];
	v17, _, _ =	vpop (xrf0);
	v2 =	vsub.f32 v2, v11  }
0x31: {  	(erf) = vpow2.f32 v4;
	(xrf0) =	vmax.scan.msk.f32 $0xffff, v15;
	v19, _, _ =	vpop (xrf0);
	v17 =	vbroadcast v17, $0xF;
	v1 =	vsub.f32 v1, v13  }
0x32: {  	s6 =	simm.s32 $0x100;
	v2 =	vmul.f32 $1.442695020e+00, v2;
	v21, _, _ =	vpop (xrf0);
	(xrf2) =	vadd.scan.msk.f32 $0xffff, v20  }
0x33: {  	v4 =	vsub.f32 v5, v17;
	v1 =	vmul.f32 $1.442695020e+00, v1;
	v5 =	vbroadcast v21, $0xF;
	v21 =	vld [tilespmem:s6+$0x70];
	v13, _, _ =	vpop (xrf0);
	(xrf2) =	vadd.scan.msk.f32 $0xffff, v3  }
0x34: {  	v11 =	vbroadcast v13, $0xF  }
0x35: {  	(xrf0) =	vmax.scan.msk.f32 $0xffff, v10;
	(erf) = vpow2.f32 v1;
	v5 =	vsub.f32 v6, v5  }
0x36: {  	v0 =	vbroadcast v0, $0xF;
	(xrf2) =	vadd.scan.msk.f32 $0xffff, v7;
	v9 =	vsub.f32 v9, v11  }
0x37: {  	v4 =	vmul.f32 $1.442695020e+00, v4;
	(erf) = vpow2.f32 v2;
	v2, _, _ =	vpop (xrf0)  }
0x38: {  	v1, _, _ =	vpop (xrf2);
	(xrf0) =	vmax.scan.msk.f32 $0xffff, v21;
	v6 =	vmul.f32 $1.442695020e+00, v9  }
0x39: {  	v0 =	vsub.f32 v12, v0;
	(erf) = vpow2.f32 v4;
	v4 =	vmul.f32 $1.442695020e+00, v5;
	v5, _, _ =	vpop (xrf2);
	(xrf2) =	vadd.scan.msk.f32 $0xffff, v14  }
0x3a: {  	v13 =	vpop (erf);
	v2 =	vbroadcast v2, $0xF  }
0x3b: {  	v0 =	vmul.f32 $1.442695020e+00, v0;
	v22, _, _ =	vpop (xrf0);
	(erf) = vpow2.f32 v6  }
0x3c: {  	v2 =	vsub.f32 v15, v2;
	(erf) = vpow2.f32 v4;
	v6, _, _ =	vpop (xrf2)  }
0x3d: {  	v24 =	vld [tilespmem:s6+$0x20];
	(erf) = vpow2.f32 v0;
	v15, _, _ =	vpop (xrf2);
	(xrf2) =	vadd.scan.msk.f32 $0xffff, v13  }
0x3e: {  	v17 =	vld [tilespmem:s6+$0x60];
	v2 =	vmul.f32 $1.442695020e+00, v2;
	v9 =	vpop (erf)  }
0x3f: {  	v11 =	vbroadcast v5, $0xF;
	v0 =	vbroadcast v6, $0xF;
	v28, _, _ =	vpop (xrf0)  }
0x40: {  	(erf) = vpow2.f32 v2;
	v25, _, _ =	vpop (xrf2)  }
0x41: {  	v5 =	vpop (erf);
	(erf) = vrcp.f32 v11;
	v11 =	vld [tilespmem:s6+$0x30]  }
0x42: {  	(xrf0) =	vmax.scan.msk.f32 $0xffff, v24;
	v4 =	vpop (erf)  }
0x43: {  	v32 =	vld [tilespmem:s6+$0x0];
	(xrf0) =	vmax.scan.msk.f32 $0xffff, v17;
	(erf) = vrcp.f32 v0;
	v0, _, _ =	vpop (xrf2)  }
0x44: {  	v2 =	vpop (erf);
	v0 =	vbroadcast v0, $0xF  }
0x45: {  	(xrf2) =	vadd.scan.msk.f32 $0xffff, v5;
	v6 =	vpop (erf)  }
0x46: {  	(xrf0) =	vmax.scan.msk.f32 $0xffff, v11;
	v12 =	vpop (erf);
	(erf) = vrcp.f32 v0  }
0x47: {  	v1 =	vbroadcast v1, $0xF;
	v27, _, _ =	vpop (xrf2);
	(xrf2) =	vadd.scan.msk.f32 $0xffff, v12  }
0x48: {  	v23 =	vbroadcast v22, $0xF;
	v26, _, _ =	vpop (xrf0);
	(xrf0) =	vmax.scan.msk.f32 $0xffff, v32;
	v0 =	vbroadcast v19, $0xF;
	v19 =	vld [tilespmem:s6+$0x40]  }
0x49: {  	v31 =	vbroadcast v15, $0xF;
	v15 =	vld [tilespmem:s6+$0x50];
	v30, _, _ =	vpop (xrf0);
	(erf) = vrcp.f32 v1  }
0x4a: {  	v25 =	vbroadcast v25, $0xF;
	v29 =	vbroadcast v27, $0xF;
	v0 =	vsub.f32 v8, v0;
	v8 =	vpop (erf)  }
0x4b: {  	v35 =	vbroadcast v26, $0xF;
	v30 =	vbroadcast v30, $0xF;
	v33 =	vpop (erf)  }
0x4c: {  	(erf) = vrcp.f32 v29;
	(xrf2) =	vadd.scan.msk.f32 $0xffff, v8;
	v34 =	vpop (erf);
	v22 =	vmul.f32 v33, v16  }
0x4d: {  	v24 =	vsub.f32 v24, v35;
	(xrf0) =	vmax.scan.msk.f32 $0xffff, v19;
	v26 =	vmul.f32 v34, v20;
	v20 =	vbroadcast v28, $0xF;
	v28, _, _ =	vpop (xrf0)  }
0x4e: {  	(erf) = vrcp.f32 v25;
	v27 =	vmul.f32 $1.442695020e+00, v0;
	vm0 =	veq.f32 v22, v33;
	v25, _, _ =	vpop (xrf0);
	(xrf0) =	vmax.scan.msk.f32 $0xffff, v15  }
0x4f: {  	(erf) = vrcp.f32 v31;
	vm1 =	veq.f32 v26, v34;
	v33 =	vmctz.xlane vm0;
	v29 =	vpop (erf)  }
0x50: {  	v16, _, _ =	vpop (xrf2);
	(xrf2) =	vadd.scan.msk.f32 $0xffff, v2;
	v63 =	vbroadcast v25, $0xF;
	v36 =	vsub.f32 v21, v20;
	v21 =	vmul.f32 v29, v14;
	v14 =	vld [tilespmem:s6+$0x10]  }
0x51: {  	v1 =	vlaneseq.u32;
	v31 =	vmul.f32 $1.442695020e+00, v24;
	v34 =	vmctz.xlane vm1;
	v24, _, _ =	vpop (xrf2)  }
0x52: {  	v0 =	vimm.f32 $0.0e+00;
	vm0 =	veq.s32 v33, v1;
	v20 =	vsub.f32 v32, v63;
	v25 =	vpop (erf)  }
0x53: {  	s7 =	simm.s32 $0x600;
	s5 =	sadd.s32 $0x800, s5;
	(xrf2) =	vadd.scan.msk.f32 $0xffff, v6;
	v32 =	vmul.f32 $1.442695020e+00, v36;
	vm1 =	veq.s32 v34, v1;
	v33, _, _ =	vpop (xrf0);
	v18 =	vmul.f32 v25, v18  }
.LBB2_1:
0x54: {  	p0 =	sne.s32 s7, $0x7E00;
	v35 =	vbroadcast v33, $0xF;
	v17 =	vsub.f32 v17, v30;
	v30, _, _ =	vpop (xrf0);
	vm2 =	veq.f32 v21, v29;
	s8 =	smov.u32 s7;
	s7 =	sadd.s32 $0x200, s7  }
0x55: {  	v28 =	vbroadcast v28, $0xF;
	v24 =	vbroadcast v24, $0xF;
	v26 =	vnsel vm1, $0x0, v26;
	(xrf0) =	vmax.scan.msk.f32 $0xffff, v14;
	v29 =	vpop (erf)  }
0x56: {  	v34 =	vmul.f32 $1.442695020e+00, v20;
	v20 =	vmovc v9;
	(erf) = vpow2.f32 v27;
	(xrf2) =	vadd.scan.msk.f32 $0xffff, v4;
	v27 =	vnsel vm0, $0x0, v22  }
0x57: {  	v9 =	vsub.f32 v19, v35;
	v17 =	vmul.f32 $1.442695020e+00, v17;
	v35 =	vmul.f32 v29, v13;
	v33, _, _ =	vpop (xrf2)  }
0x58: {  	v22 =	vsub.f32 v11, v28;
	v11 =	vmctz.xlane vm2;
	(erf) = vrcp.f32 v24;
	v13 =	vpop (erf)  }
0x59: {  	vm1 =	veq.f32 v35, v29;
	(erf) = vpow2.f32 v31;
	v28 =	vmul.f32 v13, v7;
	v19 =	vpop (erf)  }
0x5a: {  	v7 =	vmul.f32 $1.442695020e+00, v9;
	v9 =	vsub.f32 v10, v23;
	(erf) = vpow2.f32 v32;
	v23, _, _ =	vpop (xrf2)  }
0x5b: {  	s8 =	sshra.s32 s8, $0x2;
	vm0 =	veq.f32 v18, v25;
	v29 =	vbroadcast v30, $0xF;
	v30, _, _ =	vpop (xrf0);
	(erf) = vpow2.f32 v17;
	[tilespmem:s3+$0x2050] =	vst v27  }
0x5c: {  	vm2 =	veq.s32 v11, v1;
	v24 =	vmovc v5;
	v10 =	vmovc v14;
	v27 =	vadd.f32 v27, v26;
	v25 =	vld [tilespmem:s8+$0x70];
	(erf) = vpow2.f32 v7  }
0x5d: {  	v5 =	vsub.f32 v15, v29;
	v29 =	vmul.f32 v19, v3;
	v11 =	vld [tilespmem:s8+$0x30];
	(erf) = vpow2.f32 v34;
	v14, _, _ =	vpop (xrf2);
	(xrf2) =	vadd.scan.msk.f32 $0xffff, v20  }
0x5e: {  	v3 =	vmovc v6;
	v31 =	vmul.f32 $1.442695020e+00, v9;
	v9 =	vmctz.xlane vm1;
	vm1 =	veq.f32 v28, v13;
	v7 =	vmovc v4;
	v17 =	vld [tilespmem:s8+$0x60]  }
0x5f: {  	v21 =	vnsel vm2, $0x0, v21;
	v4 =	vmul.f32 $1.442695020e+00, v5;
	v5 =	vmctz.xlane vm1;
	v32 =	vld [tilespmem:s8+$0x20];
	v13 =	vpop (erf)  }
0x60: {  	v6 =	vmctz.xlane vm0;
	v23 =	vbroadcast v23, $0xF;
	vm1 =	veq.f32 v29, v19;
	v15 =	vld [tilespmem:s8+$0x50];
	v34, _, _ =	vpop (xrf2);
	[tilespmem:s3+$0x2020] =	vst v21  }
0x61: {  	vm0 =	veq.s32 v9, v1;
	v36 =	vbroadcast v14, $0xF;
	vm2 =	veq.s32 v5, v1;
	v19 =	vld [tilespmem:s8+$0x40];
	(xrf2) =	vadd.scan.msk.f32 $0xffff, v13;
	v37 =	vpop (erf)  }
0x62: {  	v33 =	vbroadcast v33, $0xF;
	vm3 =	veq.s32 v6, v1;
	v14 =	vld [tilespmem:s8+$0x10];
	(xrf0) =	vmax.scan.msk.f32 $0xffff, v25;
	v9 =	vpop (erf);
	v12 =	vmul.f32 v37, v12  }
0x63: {  	v28 =	vnsel vm2, $0x0, v28;
	v5 =	vpop (erf);
	(erf) = vpow2.f32 v31;
	v31 =	vnsel vm0, $0x0, v35  }
0x64: {  	v35 =	vmctz.xlane vm1;
	(xrf0) =	vmax.scan.msk.f32 $0xffff, v32;
	(erf) = vpow2.f32 v4;
	v4 =	vpop (erf);
	vm0 =	veq.f32 v12, v37  }
0x65: {  	v18 =	vnsel vm3, $0x0, v18;
	v37 =	vld [tilespmem:s8+$0x0];
	v38 =	vpop (erf);
	(erf) = vrcp.f32 v33;
	[tilespmem:s3+$0x2060] =	vst v28  }
0x66: {  	v6 =	vpop (erf);
	(erf) = vrcp.f32 v23;
	v23 =	vmctz.xlane vm0;
	[tilespmem:s3+$0x2070] =	vst v18;
	v18 =	vadd.f32 v18, v28  }
0x67: {  	v16 =	vbroadcast v16, $0xF;
	vm0 =	veq.s32 v35, v1;
	(xrf2) =	vadd.scan.msk.f32 $0xffff, v5;
	v28, _, _ =	vpop (xrf2);
	[tilespmem:s3+$0x2030] =	vst v31  }
0x68: {  	v33, _, _ =	vpop (xrf0);
	v35 =	vbroadcast v28, $0xF;
	vm1 =	veq.s32 v23, v1;
	v18 =	vadd.f32 v18, v27  }
0x69: {  	v21 =	vadd.f32 v31, v21;
	v23 =	vnsel vm0, $0x0, v29;
	v27 =	vnsel vm1, $0x0, v12  }
0x6a: {  	v29, _, _ =	vpop (xrf0);
	(xrf0) =	vmax.scan.msk.f32 $0xffff, v17;
	(erf) = vrcp.f32 v35;
	[tilespmem:s3+$0x2000] =	vst v23;
	v23 =	vadd.f32 v27, v23  }
0x6b: {  	v28, _, _ =	vpop (xrf2);
	[tilespmem:s3+$0x2040] =	vst v26  }
0x6c: {  	(xrf0) =	vmax.scan.msk.f32 $0xffff, v11;
	v12 =	vpop (erf);
	(erf) = vrcp.f32 v16;
	[tilespmem:s3+$0x2010] =	vst v27;
	v16 =	vadd.f32 v21, v23;
	s3 =	smov.u32 s4;
	s4 =	smov.u32 s6;
	s6 =	smov.u32 s8  }
0x6d: {  	v23 =	vbroadcast v30, $0xF;
	v21 =	vpop (erf);
	(xrf2) =	vadd.scan.msk.f32 $0xffff, v12  }
0x6e: {  	v31 =	vbroadcast v34, $0xF;
	v26 =	vbroadcast v28, $0xF;
	(xrf0) =	vmax.scan.msk.f32 $0xffff, v37;
	v34 =	vpop (erf);
	v35 =	vadd.f32 v18, v16  }
0x6f: {  	v27 =	vmul.f32 $1.442695020e+00, v22;
	v22 =	vmul.f32 v34, v8;
	v18 =	vpop (erf);
	v8 =	vmov v21  }
0x70: {  	v21 =	vbroadcast v29, $0xF;
	(xrf0) =	vmax.scan.msk.f32 $0xffff, v19;
	v28, _, _ =	vpop (xrf0);
	(erf) = vrcp.f32 v26;
	v0 =	vadd.f32 v35, v0  }
0x71: {  	v26 =	vmul.f32 v18, v2;
	v2 =	vmov v38;
	v30 =	vbroadcast v28, $0xF;
	(xrf2) =	vadd.scan.msk.f32 $0xffff, v8;
	v16, _, _ =	vpop (xrf2)  }
0x72: {  	v21 =	vsub.f32 v32, v21;
	v32 =	vbroadcast v33, $0xF;
	vm0 =	veq.f32 v22, v34;
	v28, _, _ =	vpop (xrf0);
	(xrf0) =	vmax.scan.msk.f32 $0xffff, v15  }
.Ltmp0:
0x73: {  	vm1 =	veq.f32 v26, v18;
	v18 =	vmctz.xlane vm0;
	v29 =	vpop (erf);
	(erf) = vrcp.f32 v31;
	(pc) =	sbr.rel @p0 .LBB2_1-.Ltmp0, $4  }
0x74: {  	v34 =	vmctz.xlane vm1;
	v31, _, _ =	vpop (xrf0);
	(xrf2) =	vadd.scan.msk.f32 $0xffff, v2;
	(erf) = vrcp.f32 v36  }
0x75: {  	v32 =	vsub.f32 v25, v32;
	vm0 =	veq.s32 v18, v1;
	v35 =	vbroadcast v31, $0xF;
	v25 =	vpop (erf)  }
0x76: {  	v31 =	vmul.f32 $1.442695020e+00, v21;
	v21 =	vmul.f32 v29, v20;
	vm1 =	veq.s32 v34, v1;
	v33, _, _ =	vpop (xrf0)  }
0x77: {  	v32 =	vmul.f32 $1.442695020e+00, v32;
	v18 =	vmul.f32 v25, v24;
	v20 =	vsub.f32 v37, v35;
	(xrf2) =	vadd.scan.msk.f32 $0xffff, v6;
	v24, _, _ =	vpop (xrf2)  }
0x78: {  	v33 =	vbroadcast v33, $0xF;
	v24 =	vbroadcast v24, $0xF  }
0x79: {  	v17 =	vsub.f32 v17, v30;
	(erf) = vpow2.f32 v27  }
0x7a: {  	v19 =	vsub.f32 v19, v33;
	(erf) = vrcp.f32 v24  }
0x7b: {  	v17 =	vmul.f32 $1.442695020e+00, v17;
	(erf) = vpow2.f32 v31  }
0x7c: {  	v59, _, _ =	vpop (xrf0);
	v10 =	vsub.f32 v10, v23;
	v19 =	vmul.f32 $1.442695020e+00, v19;
	(erf) = vpow2.f32 v32  }
0x7d: {  	v60 =	vpop (erf);
	v20 =	vmul.f32 $1.442695020e+00, v20;
	(erf) = vpow2.f32 v17  }
0x7e: {  	v10 =	vmul.f32 $1.442695020e+00, v10;
	v61, _, _ =	vpop (xrf2);
	(erf) = vpow2.f32 v19  }
0x7f: {  	v62 =	vpop (erf);
	(erf) = vpow2.f32 v20  }
0x80: {  	v63 =	vpop (erf);
	(erf) = vpow2.f32 v10  }
0x81: {  	(xrf2) =	vadd.scan.msk.f32 $0xffff, v4;
	v40, _, _ =	vpop (xrf2)  }
0x82: {  	(xrf2) =	vadd.scan.msk.f32 $0xffff, v9;
	v32 =	vpop (erf)  }
0x83: {  	v41 =	vbroadcast v59, $0xF;
	v42 =	vpop (erf)  }
0x84: {  	v17 =	vpop (erf)  }
0x85: {  	v43 =	vsub.f32 v15, v41;
	(xrf2) =	vadd.scan.msk.f32 $0xffff, v32;
	v15 =	vpop (erf)  }
0x86: {  	v28 =	vbroadcast v28, $0xF;
	v10 =	vpop (erf)  }
0x87: {  	vm2 =	veq.f32 v21, v29;
	v44 =	vmul.f32 $1.442695020e+00, v43;
	v19 =	vpop (erf)  }
0x88: {  	(xrf0) =	vmax.scan.msk.f32 $0xffff, v14;
	v16 =	vbroadcast v16, $0xF;
	v45 =	vmul.f32 v60, v13;
	v11 =	vsub.f32 v11, v28;
	v13 =	vpop (erf)  }
0x89: {  	v34 =	vmctz.xlane vm2;
	vm15 =	veq.f32 v18, v25;
	(xrf2) =	vadd.scan.msk.f32 $0xffff, v15;
	(erf) = vpow2.f32 v44;
	v33 =	vpop (erf)  }
0x8a: {  	v59 =	vmctz.xlane vm15;
	v11 =	vmul.f32 $1.442695020e+00, v11;
	v35, _, _ =	vpop (xrf2);
	(xrf2) =	vadd.scan.msk.f32 $0xffff, v33  }
0x8b: {  	vm14 =	veq.f32 v45, v60;
	v46 =	vmul.f32 v62, v7;
	v7 =	vbroadcast v61, $0xF;
	v37, _, _ =	vpop (xrf2)  }
0x8c: {  	v36 =	vmctz.xlane vm14;
	v48 =	vbroadcast v40, $0xF;
	v49, _, _ =	vpop (xrf2)  }
0x8d: {  	(erf) = vrcp.f32 v7;
	v31 =	vbroadcast v49, $0xF  }
0x8e: {  	v47 =	vmul.f32 v63, v3;
	v3 =	vnsel vm1, $0x0, v26;
	v53, _, _ =	vpop (xrf0);
	(erf) = vrcp.f32 v48  }
0x8f: {  	v26 =	vbroadcast v53, $0xF;
	vm5 =	veq.f32 v46, v62;
	(erf) = vrcp.f32 v31;
	v51, _, _ =	vpop (xrf2)  }
0x90: {  	vm4 =	veq.s32 v34, v1;
	v56 =	vmctz.xlane vm5;
	v52 =	vbroadcast v51, $0xF  }
0x91: {  	vm3 =	veq.s32 v59, v1;
	v54 =	vbroadcast v37, $0xF;
	(erf) = vrcp.f32 v16  }
0x92: {  	vm6 =	veq.f32 v47, v63;
	v50 =	vbroadcast v35, $0xF;
	(erf) = vrcp.f32 v52;
	v25 =	vpop (erf)  }
0x93: {  	v18 =	vnsel vm3, $0x0, v18;
	v62 =	vmctz.xlane vm6;
	(erf) = vrcp.f32 v54;
	v30, _, _ =	vpop (xrf2)  }
0x94: {  	v58 =	vsub.f32 v14, v26;
	v12 =	vmul.f32 v42, v12;
	(erf) = vrcp.f32 v50;
	v57, _, _ =	vpop (xrf2)  }
0x95: {  	vm7 =	veq.s32 v36, v1;
	(xrf2) =	vadd.scan.msk.f32 $0xffff, v25;
	(erf) = vpow2.f32 v11;
	v20 =	vbroadcast v57, $0xF  }
0x96: {  	v14 =	vnsel vm7, $0x0, v45;
	vm8 =	veq.f32 v12, v42;
	v60 =	vpop (erf);
	v11 =	vmul.f32 $1.442695020e+00, v58  }
0x97: {  	vm9 =	veq.s32 v62, v1;
	v39 =	vmctz.xlane vm8;
	v61 =	vpop (erf);
	(erf) = vrcp.f32 v20  }
0x98: {  	vm2 =	veq.s32 v56, v1;
	v23 =	vnsel vm9, $0x0, v47;
	(xrf2) =	vadd.scan.msk.f32 $0xffff, v19;
	v63 =	vpop (erf);
	(erf) = vpow2.f32 v11  }
0x99: {  	v7 =	vnsel vm0, $0x0, v22;
	vm10 =	veq.s32 v39, v1;
	v8 =	vmul.f32 v60, v8;
	(xrf2) =	vadd.scan.msk.f32 $0xffff, v13  }
0x9a: {  	v55 =	vadd.f32 v7, v3;
	v12 =	vnsel vm10, $0x0, v12;
	v2 =	vmul.f32 v61, v2;
	(xrf2) =	vadd.scan.msk.f32 $0xffff, v10;
	v40 =	vpop (erf)  }
0x9b: {  	v16 =	vnsel vm4, $0x0, v21;
	v62 =	vbroadcast v30, $0xF;
	vm11 =	veq.f32 v8, v60;
	(xrf2) =	vadd.scan.msk.f32 $0xffff, v17;
	v42 =	vpop (erf)  }
0x9c: {  	vm12 =	veq.f32 v2, v61;
	v47 =	vmctz.xlane vm11;
	v49 =	vmul.f32 v63, v9;
	v43 =	vpop (erf)  }
0x9d: {  	v44 =	vadd.f32 v14, v16;
	v48 =	vmctz.xlane vm12;
	v5 =	vmul.f32 v40, v5;
	v45 =	vpop (erf)  }
0x9e: {  	vm0 =	veq.s32 v47, v1;
	vm13 =	veq.f32 v49, v63;
	v11 =	vnsel vm2, $0x0, v46;
	v35 =	vpop (erf)  }
0x9f: {  	v46 =	vadd.f32 v12, v23;
	vm1 =	veq.s32 v48, v1;
	v53 =	vmctz.xlane vm13;
	v50, _, _ =	vpop (xrf2);
	(xrf2) =	vadd.scan.msk.f32 $0xffff, v35  }
0xa0: {  	vm15 =	veq.f32 v5, v40;
	v8 =	vnsel vm0, $0x0, v8;
	v41 =	vadd.f32 v18, v11;
	v52 =	vpop (erf)  }
0xa1: {  	v51 =	vmul.f32 v42, v32;
	v2 =	vnsel vm1, $0x0, v2;
	v61 =	vmctz.xlane vm15;
	v20 =	vpop (erf)  }
0xa2: {  	v31 =	vadd.f32 v44, v46;
	v4 =	vmul.f32 v43, v4;
	vm6 =	veq.s32 v53, v1;
	v54, _, _ =	vpop (xrf2);
	(xrf2) =	vadd.scan.msk.f32 $0xffff, v20  }
0xa3: {  	v36 =	vadd.f32 v8, v2;
	v28 =	vadd.f32 v41, v55;
	v55 =	vbroadcast v50, $0xF;
	v56, _, _ =	vpop (xrf2)  }
0xa4: {  	vm14 =	veq.f32 v51, v42;
	v6 =	vmul.f32 v45, v6;
	v57 =	vbroadcast v54, $0xF;
	v59, _, _ =	vpop (xrf2)  }
0xa5: {  	v9 =	vnsel vm6, $0x0, v49;
	vm11 =	veq.s32 v61, v1;
	(erf) = vrcp.f32 v55;
	v60, _, _ =	vpop (xrf2)  }
0xa6: {  	vm7 =	veq.f32 v4, v43;
	(erf) = vrcp.f32 v57;
	v22 =	vbroadcast v60, $0xF  }
0xa7: {  	v58 =	vmctz.xlane vm14;
	v5 =	vnsel vm11, $0x0, v5;
	v27 =	vmctz.xlane vm7  }
0xa8: {  	vm8 =	veq.f32 v6, v45;
	v37 =	vbroadcast v56, $0xF;
	(erf) = vrcp.f32 v22  }
0xa9: {  	v49 =	vadd.f32 v28, v31;
	v39 =	vmctz.xlane vm8;
	v63 =	vmul.f32 v52, v33;
	v33, _, _ =	vpop (xrf2)  }
0xaa: {  	vm9 =	veq.s32 v58, v1;
	(erf) = vrcp.f32 v62;
	v22 =	vbroadcast v33, $0xF  }
0xab: {  	vm10 =	veq.s32 v27, v1;
	v38 =	vbroadcast v59, $0xF;
	vm12 =	veq.f32 v63, v52  }
0xac: {  	v21 =	vnsel vm9, $0x0, v51;
	v40 =	vmctz.xlane vm12;
	(erf) = vrcp.f32 v22;
	v41, _, _ =	vpop (xrf2)  }
0xad: {  	v4 =	vnsel vm10, $0x0, v4;
	(erf) = vrcp.f32 v38;
	v29 =	vbroadcast v41, $0xF  }
0xae: {  	[tilespmem:s3+$0x2070] =	vst v18;
	vm13 =	veq.s32 v39, v1;
	v45 =	vadd.f32 v21, v9;
	v42 =	vpop (erf);
	(erf) = vrcp.f32 v37  }
0xaf: {  	[tilespmem:s3+$0x2040] =	vst v3;
	v6 =	vnsel vm13, $0x0, v6;
	vm14 =	veq.s32 v40, v1;
	v44 =	vpop (erf);
	(erf) = vrcp.f32 v29  }
0xb0: {  	[tilespmem:s3+$0x2030] =	vst v14;
	v26 =	vnsel vm14, $0x0, v63;
	v43 =	vmul.f32 v42, v25;
	v19 =	vmul.f32 v44, v19  }
0xb1: {  	[tilespmem:s3+$0x2050] =	vst v7;
	v7 =	vadd.f32 v5, v4;
	v46 =	vadd.f32 v26, v6;
	v47 =	vpop (erf)  }
0xb2: {  	[tilespmem:s3+$0x2000] =	vst v23;
	vm15 =	veq.f32 v43, v42;
	vm4 =	veq.f32 v19, v44;
	v17 =	vmul.f32 v47, v17  }
0xb3: {  	[tilespmem:s3+$0x2010] =	vst v12;
	v7 =	vadd.f32 v7, v36;
	v24 =	vmctz.xlane vm15;
	v48 =	vmctz.xlane vm4;
	v50 =	vpop (erf)  }
0xb4: {  	[tilespmem:s3+$0x2060] =	vst v11;
	v11 =	vadd.f32 v45, v46;
	v15 =	vmul.f32 v50, v15;
	vm5 =	veq.f32 v17, v47  }
0xb5: {  	[tilespmem:s3+$0x2020] =	vst v16;
	vm0 =	veq.s32 v24, v1;
	vm1 =	veq.s32 v48, v1;
	v54 =	vmctz.xlane vm5;
	v51 =	vpop (erf)  }
0xb6: {  	[tilespmem:s4+$0x2050] =	vst v8;
	v53 =	vnsel vm0, $0x0, v43;
	v3 =	vnsel vm1, $0x0, v19;
	vm7 =	veq.f32 v15, v50;
	v55 =	vpop (erf)  }
0xb7: {  	[tilespmem:s4+$0x2070] =	vst v5;
	v8 =	vadd.f32 v53, v3;
	vm2 =	veq.s32 v54, v1;
	v52 =	vmul.f32 v51, v35;
	v56 =	vpop (erf)  }
0xb8: {  	[tilespmem:s4+$0x2060] =	vst v4;
	v5 =	vmctz.xlane vm7;
	v4 =	vnsel vm2, $0x0, v17;
	v10 =	vmul.f32 v55, v10;
	v57 =	vpop (erf)  }
0xb9: {  	vm6 =	veq.f32 v52, v51;
	v13 =	vmul.f32 v56, v13;
	v20 =	vmul.f32 v57, v20  }
0xba: {  	vm13 =	veq.s32 v5, v1;
	v58 =	vmctz.xlane vm6;
	vm8 =	veq.f32 v10, v55  }
0xbb: {  	[tilespmem:s4+$0x2040] =	vst v2;
	v59 =	vmctz.xlane vm8;
	vm9 =	veq.f32 v13, v56;
	vm11 =	veq.f32 v20, v57  }
0xbc: {  	[tilespmem:s4+$0x2020] =	vst v9;
	vm10 =	veq.s32 v58, v1;
	v60 =	vmctz.xlane vm9;
	v61 =	vmctz.xlane vm11  }
0xbd: {  	[tilespmem:s4+$0x2030] =	vst v21;
	v2 =	vnsel vm13, $0x0, v15;
	vm12 =	veq.s32 v59, v1;
	v5 =	vnsel vm10, $0x0, v52  }
0xbe: {  	[tilespmem:s4+$0x2000] =	vst v6;
	v6 =	vnsel vm12, $0x0, v10;
	vm14 =	veq.s32 v60, v1;
	vm15 =	veq.s32 v61, v1  }
0xbf: {  	[tilespmem:s4+$0x2010] =	vst v26;
	v63 =	vadd.f32 v5, v4;
	v9 =	vnsel vm14, $0x0, v13;
	v62 =	vnsel vm15, $0x0, v20  }
0xc0: {  	[tilespmem:s6+$0x2050] =	vst v53;
	v1 =	vadd.f32 v2, v6;
	v13 =	vadd.f32 v62, v9  }
0xc1: {  	v0 =	vadd.f32 v49, v0;
	v7 =	vadd.f32 v7, v11;
	[tilespmem:s6+$0x2040] =	vst v3  }
0xc2: {  	[tilespmem:s6+$0x2020] =	vst v4;
	v1 =	vadd.f32 v1, v8;
	v4 =	vadd.f32 v63, v13  }
0xc3: {  	[tilespmem:s6+$0x2070] =	vst v2  }
0xc4: {  	v0 =	vadd.f32 v7, v0;
	[tilespmem:s6+$0x2030] =	vst v5;
	v1 =	vadd.f32 v1, v4  }
0xc5: {  	[tilespmem:s6+$0x2060] =	vst v6  }
0xc6: {  	[tilespmem:s6+$0x2000] =	vst v9;
	v0 =	vadd.f32 v1, v0  }
0xc7: {  	s26 =	sshll.u32 s1, $0x1;
	s28 =	simm.s32 $0x0;
	[tilespmem:s6+$0x2010] =	vst v62  }
0xc8: {  	s29 =	simm.s32 $0x4000;
	s30 =	simm.s32 $0x1;
	s3 =	sadd.s32 s5, s26;
	[tilespmem:$0x4000] =	vst v0  }
0xc9: {  	[hbm4b:s3+s28] =	stream.linear.scatter [tilespmem:s29], [sflag:$0x1], $0x10, $0x38;
	[tilespmem:$0x4110] =	vst v63  }
0xca: {  	_ =	swait.ge [sflag:s30], $0x10  }
0xcb: {  	[sflag:s30] =	ssyncset.done $0x0  }
0xcc: {  	[sflag:s30] =	ssyncadd.s32 $0xFFFFFFF0  }
0xcd: {  	s31 =	simm.s32 $0x4010;
	[bflag:$0x0] =	sbarrier.arrive $0xFFFF  }
0xce: {  	[tilespmem:s31], [sflag:$0x1] =	stream.linear.gather [hbm4b:s5+s28], $0x100, $0x38;
	[tilespmem:$0x4110] =	vst v63  }
0xcf: {  	_ =	swait.ge [sflag:s30], $0x100  }
0xd0: {  	[sflag:s30] =	ssyncset.done $0x0  }
0xd1: {  	[sflag:s30] =	ssyncadd.s32 $0xFFFFFF00  }
0xd2: {  	[bflag:$0x0] =	sbarrier.arrive $0xFFFF  }
0xd3: {  	v0 =	vld [tilespmem:$0x4010]  }
0xd4: {  	v1 =	vld [tilespmem:$0x4020];
	_ =	sdelay $0x1  }
0xd5: {  	v2 =	vld [tilespmem:$0x4030];
	_ =	sdelay $0x1  }
0xd6: {  	v3 =	vld [tilespmem:$0x4040]  }
0xd7: {  	v0 =	vadd.f32 v1, v0  }
0xd8: {  	v1 =	vld [tilespmem:$0x4050]  }
0xd9: {  	v0 =	vadd.f32 v2, v0  }
0xda: {  	v2 =	vld [tilespmem:$0x4060]  }
0xdb: {  	v0 =	vadd.f32 v3, v0  }
0xdc: {  	v3 =	vld [tilespmem:$0x4070]  }
0xdd: {  	v0 =	vadd.f32 v1, v0  }
0xde: {  	v1 =	vld [tilespmem:$0x4080]  }
0xdf: {  	v0 =	vadd.f32 v2, v0  }
0xe0: {  	v2 =	vld [tilespmem:$0x4090]  }
0xe1: {  	v0 =	vadd.f32 v3, v0  }
0xe2: {  	v3 =	vld [tilespmem:$0x40A0]  }
0xe3: {  	v0 =	vadd.f32 v1, v0  }
0xe4: {  	v1 =	vld [tilespmem:$0x40B0]  }
0xe5: {  	v0 =	vadd.f32 v2, v0  }
0xe6: {  	v2 =	vld [tilespmem:$0x40C0]  }
0xe7: {  	v0 =	vadd.f32 v3, v0  }
0xe8: {  	v3 =	vld [tilespmem:$0x40D0]  }
0xe9: {  	v0 =	vadd.f32 v1, v0  }
0xea: {  	v1 =	vld [tilespmem:$0x40E0]  }
0xeb: {  	v0 =	vadd.f32 v2, v0  }
0xec: {  	v2 =	vld [tilespmem:$0x40F0]  }
0xed: {  	v0 =	vadd.f32 v3, v0  }
0xee: {  	v3 =	vld [tilespmem:$0x4100]  }
0xef: {  	v0 =	vadd.f32 v1, v0;
	_ =	sdelay $0x1  }
0xf0: {  	v0 =	vadd.f32 v2, v0;
	_ =	sdelay $0x1  }
0xf1: {  	v0 =	vadd.f32 v3, v0;
	_ =	sdelay $0x1  }
0xf2: {  	v0 =	vadd.f32 $9.999999970e-07, v0;
	_ =	sdelay $0x1  }
0xf3: {  	(erf) = vrcp.f32 v0;
	_ =	sdelay $0x5  }
0xf4: {  	s3 =	simm.s32 $0x0  }
0xf5: {  	v4 =	vld [tilespmem:s3+$0x2000]  }
0xf6: {  	v6 =	vld [tilespmem:s3+$0x2010]  }
0xf7: {  	v5 =	vld [tilespmem:s3+$0x2020];
	v0 =	vpop (erf)  }
0xf8: {  	v1 =	vld [tilespmem:s3+$0x2030];
	v0 =	vmul.f32 $8.192000000e+03, v0  }
0xf9: {  	v2 =	vld [tilespmem:s3+$0x2040]  }
0xfa: {  	v3 =	vld [tilespmem:s3+$0x2050];
	v7 =	vmul.f32 v4, v0  }
0xfb: {  	s4 =	simm.s32 $0x200;
	v6 =	vmul.f32 v6, v0;
	v4 =	vld [tilespmem:s3+$0x2060]  }
.LBB2_3:
0xfc: {  	s6 =	sshra.s32 s4, $0x2;
	p0 =	sne.s32 s4, $0x7E00;
	[tilespmem:s3+$0x2000] =	vst v7;
	v5 =	vmul.f32 v5, v0;
	v7 =	vld [tilespmem:s3+$0x2070]  }
0xfd: {  	v8 =	vld [tilespmem:s6+$0x2000];
	[tilespmem:s3+$0x2010] =	vst v6;
	v1 =	vmul.f32 v1, v0  }
0xfe: {  	v6 =	vld [tilespmem:s6+$0x2010];
	[tilespmem:s3+$0x2020] =	vst v5;
	v2 =	vmul.f32 v2, v0  }
.Ltmp1:
0xff: {  	v5 =	vld [tilespmem:s6+$0x2020];
	[tilespmem:s3+$0x2030] =	vst v1;
	v3 =	vmul.f32 v3, v0;
	(pc) =	sbr.rel @p0 .LBB2_3-.Ltmp1, $4  }
0x100: {  	v1 =	vld [tilespmem:s6+$0x2030];
	[tilespmem:s3+$0x2040] =	vst v2;
	v4 =	vmul.f32 v4, v0  }
0x101: {  	v2 =	vld [tilespmem:s6+$0x2040];
	[tilespmem:s3+$0x2050] =	vst v3;
	v9 =	vmul.f32 v7, v0  }
0x102: {  	v7 =	vmul.f32 v8, v0;
	v3 =	vld [tilespmem:s6+$0x2050];
	[tilespmem:s3+$0x2060] =	vst v4  }
0x103: {  	s4 =	sadd.s32 $0x200, s4;
	v6 =	vmul.f32 v6, v0;
	v4 =	vld [tilespmem:s6+$0x2060];
	[tilespmem:s3+$0x2070] =	vst v9;
	s3 =	smov.u32 s6  }
0x104: {  	[tilespmem:s3+$0x2000] =	vst v7;
	v5 =	vmul.f32 v5, v0;
	v60 =	vld [tilespmem:s3+$0x2070]  }
0x105: {  	[tilespmem:s3+$0x2010] =	vst v6;
	v1 =	vmul.f32 v1, v0  }
0x106: {  	[tilespmem:s3+$0x2020] =	vst v5;
	v2 =	vmul.f32 v2, v0  }
0x107: {  	[tilespmem:s3+$0x2030] =	vst v1;
	v61 =	vmul.f32 v3, v0  }
0x108: {  	[tilespmem:s3+$0x2040] =	vst v2;
	v62 =	vmul.f32 v4, v0  }
0x109: {  	[tilespmem:s3+$0x2050] =	vst v61;
	v63 =	vmul.f32 v60, v0  }
0x10a: {  	s2 =	sadd.s32 s5, s2;
	[tilespmem:s3+$0x2060] =	vst v62  }
0x10b: {  	s30 =	simm.s32 $0x0;
	s4 =	simm.s32 $0x2000;
	s31 =	simm.s32 $0x1;
	[tilespmem:s3+$0x2070] =	vst v63  }
0x10c: {  	[hbm4b:s2+s30] =	stream.linear.scatter [tilespmem:s4], [sflag:$0x1], $0x2000, $0x38;
	[tilespmem:$0x4110] =	vst v63  }
0x10d: {  	_ =	swait.ge [sflag:s31], $0x2000  }
0x10e: {  	[sflag:s31] =	ssyncset.done $0x0  }
0x10f: {  	[sflag:s31] =	ssyncadd.s32 $0xFFFFE000  }
0x110: {  	_ =	sfence.sel $0x180000  }
0x111: {  	[bflag:$0x0] =	sbarrier.arrive $0xFFFF  }
0x112: {  	p0 =	sne.s32 s1, $0x0;
	_ =	strace $0x90000047  }
0x113: {  	s0 =	sadd.s32 @!p0 $0x100000, s0;
	[bflag:$0x2] =	sbarrier.arrive $0xFFFF  }
0x114: {  	[sflag:s0] =	ssyncadd.tile.s32 @!p0 $0x1;
	_ =	shalt  }
.Lfunc_end2:
_tile_overlayer_lowered:
.L_overlay_start_2:
0x115: {  	(tag) =	ssettag $0x2  }
0x116: {  	s0 =	rddreg [dreg:$0x0];
	s2 =	stileid.u32  }
0x117: {  	s1 =	rddreg [dreg:$0x1];
	p0 =	sne.s32 s2, $0x0  }
0x118: {  	s3 =	rddreg [dreg:$0x2];
	[bflag:$0x3] =	sbarrier.arrive $0xFFFF;
	s2 =	simm.s32 @!p0 $0x1C01  }
0x119: {  	[timem:s3], [sflag:s2] =	dma.local @!p0 [hbm:s0], s1  }
0x11a: {  	s0 =	simm.s32 @!p0 $0x1  }
0x11b: {  	_ =	swait.ge @!p0 [sflag:s0], s1  }
0x11c: {  	s1 =	ssub.s32 @!p0 $0x0, s1;
	[sflag:s0] =	ssyncset.done @!p0 $0x0  }
0x11d: {  	[sflag:s0] =	ssyncadd.s32 @!p0 s1  }
0x11e: {  	[bflag:$0x3] =	sbarrier.arrive $0xFFFF  }
0x11f: {  	_ =	shalt  }

</sc_bundles>
